<compile_context>
chip_gen: v7x
topology: tpu7x:2x2x1
jax: 0.10.2.dev20260603
libtpu: 0.0.44.dev20260713+nightly
codegen_flags: <defaults>
</compile_context>

<pallas_src>
import jax
import jax.numpy as jnp
from jax import lax
from jax.experimental import pallas as pl
from jax.experimental.pallas import tpu as pltpu
from jax.experimental.pallas import tpu_sc as plsc

N = 10000
E = 320000
D = 128

BN = 200
G = 8


def _bmm_body(x_ref, w_ref, b_ref, o_ref):
    outs = []
    for g in range(BN // G):
        xg = x_ref[g * G:(g + 1) * G, :]
        wg = w_ref[g * G:(g + 1) * G].reshape(G * D, D)
        xrep = jnp.concatenate([xg] * G, axis=1)
        colb = lax.broadcasted_iota(jnp.int32, (G, G * D), 1) // D
        rowb = lax.broadcasted_iota(jnp.int32, (G, G * D), 0)
        xmask = jnp.where(colb == rowb, xrep, 0.0)
        outs.append(jnp.dot(xmask, wg, preferred_element_type=jnp.float32))
    o_ref[...] = jnp.concatenate(outs, axis=0) + b_ref[0][None, :]


def _bmm(x, weight, bias):
    return pl.pallas_call(
        _bmm_body,
        grid=(N // BN,),
        in_specs=[
            pl.BlockSpec((BN, D), lambda i: (i, 0)),
            pl.BlockSpec((BN, D, D), lambda i: (i, 0, 0)),
            pl.BlockSpec((1, D), lambda i: (0, 0)),
        ],
        out_specs=pl.BlockSpec((BN, D), lambda i: (i, 0)),
        out_shape=jax.ShapeDtypeStruct((N, D), jnp.float32),
    )(x, weight, bias.reshape(1, D))


NC = 2
NS = 16
NW = NC * NS
CH = 128
NCH = 80
HNCH = NCH // 2
ROWS_PER_S = 632
N_PAD = NS * ROWS_PER_S


def _agg_body(out_hbm, row_hbm, col_hbm, zero_hbm, p_hbm,
              idx_v, rows_a, rows_b, acc, sem_a, sem_b):
    c = lax.axis_index("c")
    s = lax.axis_index("s")
    w = s * NC + c

    pltpu.sync_copy(zero_hbm.at[pl.ds(s * ROWS_PER_S, ROWS_PER_S)],
                    acc.at[pl.ds(s * ROWS_PER_S, ROWS_PER_S)])
    plsc.subcore_barrier()

    for p in range(2):
        pltpu.sync_copy(row_hbm.at[w].at[pl.ds(p * HNCH, HNCH)],
                        idx_v.at[pl.ds(0, HNCH)])
        pltpu.sync_copy(col_hbm.at[w].at[pl.ds(p * HNCH, HNCH)],
                        idx_v.at[pl.ds(HNCH, HNCH)])
        pltpu.async_copy(out_hbm.at[idx_v.at[0]], rows_a, sem_a)

        @pl.loop(0, HNCH // 2 - 1)
        def _pair(j):
            i = j * 2
            pltpu.async_copy(out_hbm.at[idx_v.at[i + 1]], rows_b, sem_b)
            pltpu.make_async_copy(out_hbm.at[pl.ds(0, CH)], rows_a, sem_a).wait()
            pltpu.sync_copy(rows_a, acc.at[idx_v.at[HNCH + i]], add=True)
            pltpu.async_copy(out_hbm.at[idx_v.at[i + 2]], rows_a, sem_a)
            pltpu.make_async_copy(out_hbm.at[pl.ds(0, CH)], rows_b, sem_b).wait()
            pltpu.sync_copy(rows_b, acc.at[idx_v.at[HNCH + i + 1]], add=True)

        i = HNCH - 2
        pltpu.async_copy(out_hbm.at[idx_v.at[i + 1]], rows_b, sem_b)
        pltpu.make_async_copy(out_hbm.at[pl.ds(0, CH)], rows_a, sem_a).wait()
        pltpu.sync_copy(rows_a, acc.at[idx_v.at[HNCH + i]], add=True)
        pltpu.make_async_copy(out_hbm.at[pl.ds(0, CH)], rows_b, sem_b).wait()
        pltpu.sync_copy(rows_b, acc.at[idx_v.at[HNCH + i + 1]], add=True)

    plsc.subcore_barrier()
    pltpu.sync_copy(acc.at[pl.ds(s * ROWS_PER_S, ROWS_PER_S)],
                    p_hbm.at[c].at[pl.ds(s * ROWS_PER_S, ROWS_PER_S)])


def _agg(out, row_p, col_p, zeros):
    mesh = plsc.VectorSubcoreMesh(core_axis_name="c", subcore_axis_name="s")
    kern = pl.kernel(
        _agg_body,
        out_type=jax.ShapeDtypeStruct((NC, N_PAD, D), jnp.float32),
        mesh=mesh,
        scratch_types=[
            pltpu.VMEM((2 * HNCH, CH), jnp.int32),
            pltpu.VMEM((CH, D), jnp.float32),
            pltpu.VMEM((CH, D), jnp.float32),
            pltpu.VMEM_SHARED((N_PAD, D), jnp.float32),
            pltpu.SemaphoreType.DMA,
            pltpu.SemaphoreType.DMA,
        ],
    )
    return kern(out, row_p, col_p, zeros)


CBN = 400


def _combine_body(p_ref, o_ref, y_ref):
    y_ref[...] = p_ref[0] + p_ref[1] + o_ref[...]


def _combine(p, out):
    return pl.pallas_call(
        _combine_body,
        grid=(N // CBN,),
        in_specs=[
            pl.BlockSpec((2, CBN, D), lambda i: (0, i, 0)),
            pl.BlockSpec((CBN, D), lambda i: (i, 0)),
        ],
        out_specs=pl.BlockSpec((CBN, D), lambda i: (i, 0)),
        out_shape=jax.ShapeDtypeStruct((N, D), jnp.float32),
    )(p, out)


@jax.jit
def kernel(x, edge_index, weight, bias):
    row = edge_index[0].astype(jnp.int32)
    col = edge_index[1].astype(jnp.int32)
    pad = NW * NCH * CH - E
    pad_src = jnp.arange(pad, dtype=jnp.int32) % N
    pad_dst = N + jnp.arange(pad, dtype=jnp.int32) % (N_PAD - N)
    row_p = jnp.concatenate([row, pad_src]).reshape(NW, NCH, CH)
    col_p = jnp.concatenate([col, pad_dst]).reshape(NW, NCH, CH)
    zeros = jnp.zeros((N_PAD, D), jnp.float32)

    out = _bmm(x, weight, bias)
    p = _agg(out, row_p, col_p, zeros)
    return _combine(p, out)

# --- scband reference (transcript-rebuilt; emitter-appended) ---
"""Pipeline reference for scband-dynamic-gnn-5351529251149 (READ-ONLY COPY).

The authoritative reference and input builder live on the scoring server;
editing this copy changes nothing except your own understanding.
"""

import jax, jax.numpy as jnp
import numpy as np

N_NODES = 10000
N_EDGES = 320000
D = 128


def setup_inputs(seed: int = 0) -> dict:
    key = jax.random.key(seed)
    k1, k2, k3, k4 = jax.random.split(key, 4)
    x = jax.random.normal(k1, (N_NODES, D), dtype=jnp.float32)
    edge_index = jax.random.randint(k2, (2, N_EDGES), 0, N_NODES, dtype=jnp.int64)
    # generated per-node GCN weights (one layer): weight [N, D, D], bias [D]
    weight = jax.random.normal(k3, (N_NODES, D, D), dtype=jnp.float32) * 0.05
    bias = jax.random.normal(k4, (D,), dtype=jnp.float32)
    return {"x": x, "edge_index": edge_index, "weight": weight, "bias": bias}


def reference(x, edge_index, weight, bias):
    # GCN layer with dynamic (per-node) weights, single layer so no relu/dropout
    # out = bmm(x.unsqueeze(1), weight).squeeze(1) + bias
    out = jnp.einsum('nd,ndo->no', x, weight) + bias
    row = edge_index[0]
    col = edge_index[1]
    out_messages = jnp.take(out, row, axis=0)          # gather
    out_agg = jnp.zeros_like(out).at[col].add(out_messages)  # scatter-add
    out_agg = out_agg + out
    return out_agg

if __name__ == "__main__":
    import jax
    _d = setup_inputs()
    print(jax.jit(kernel)(*tuple(_d.values())))

</pallas_src>

<mosaic_0001>
#map = affine_map<(d0, d1) -> (0, 0)>
#map1 = affine_map<(d0, d1) -> (0, 0, 0)>
module attributes {stable_mosaic.version = 14 : i64} {
  func.func @_agg_body(%arg0: i32, %arg1: i32, %arg2: memref<10000x128xf32, #tpu.memory_space<hbm>>, %arg3: memref<32x80x128xi32, #tpu.memory_space<hbm>>, %arg4: memref<32x80x128xi32, #tpu.memory_space<hbm>>, %arg5: memref<10112x128xf32, #tpu.memory_space<hbm>>, %arg6: memref<2x10112x128xf32, #tpu.memory_space<hbm>>, %arg7: memref<80x128xi32, #tpu.memory_space<vmem>>, %arg8: memref<128x128xf32, #tpu.memory_space<vmem>>, %arg9: memref<128x128xf32, #tpu.memory_space<vmem>>, %arg10: memref<10112x128xf32, #tpu.memory_space<vmem_shared>>, %arg11: memref<!tpu.dma_semaphore, #tpu.memory_space<semaphore_mem>>, %arg12: memref<!tpu.dma_semaphore, #tpu.memory_space<semaphore_mem>>) attributes {dimension_semantics = [#tpu.dimension_semantics<core_parallel>, #tpu.dimension_semantics<subcore_parallel>], iteration_bounds = array<i64: 2, 16>, scalar_prefetch = 0 : i64, scratch_operands = 6 : i64, tpu.core_type = #tpu.core_type<sc_vector_subcore>, window_params = [{transform_indices = #map}, {transform_indices = #map1}, {transform_indices = #map1}, {transform_indices = #map}, {transform_indices = #map1}]} {
    %mul3A = arith.constant 2 : i32
    %mul3A_0 = arith.muli %arg1, %mul3A : i32
    %add3A = arith.addi %mul3A_0, %arg0 : i32
    %mul3A_1 = arith.constant 632 : i32
    %mul3A_2 = arith.muli %arg1, %mul3A_1 : i32
    %mul3A_3 = arith.constant 632 : i32
    %mul3A_4 = arith.muli %arg1, %mul3A_3 : i32
    "tpu.region"() ({
      %run_scoped3A_72 = tpu.sem_alloc : memref<!tpu.dma_semaphore, #tpu.memory_space<semaphore_mem>>
      %dma_start3A_73 = arith.constant 0 : i32
      %dma_start3A_74 = tpu.memref_slice %arg10[%mul3A_4, %dma_start3A_73] : memref<10112x128xf32, #tpu.memory_space<vmem_shared>> -> memref<632x128xf32, #tpu.memory_space<vmem_shared>>
      %dma_start3A_75 = arith.constant 0 : i32
      %dma_start3A_76 = tpu.memref_slice %arg5[%mul3A_2, %dma_start3A_75] : memref<10112x128xf32, #tpu.memory_space<hbm>> -> memref<632x128xf32, #tpu.memory_space<hbm>>
      tpu.enqueue_dma source(%dma_start3A_76 : memref<632x128xf32, #tpu.memory_space<hbm>>) target(%dma_start3A_74 : memref<632x128xf32, #tpu.memory_space<vmem_shared>>) target_semaphore(%run_scoped3A_72 : memref<!tpu.dma_semaphore, #tpu.memory_space<semaphore_mem>>)
      %dma_wait3A_77 = arith.constant 0 : i32
      %dma_wait3A_78 = tpu.memref_slice %arg10[%mul3A_4, %dma_wait3A_77] : memref<10112x128xf32, #tpu.memory_space<vmem_shared>> -> memref<632x128xf32, #tpu.memory_space<vmem_shared>>
      %dma_wait3A_79 = arith.constant 0 : i32
      %dma_wait3A_80 = tpu.memref_slice %arg5[%mul3A_2, %dma_wait3A_79] : memref<10112x128xf32, #tpu.memory_space<hbm>> -> memref<632x128xf32, #tpu.memory_space<hbm>>
      tpu.wait_dma2 semaphore(%run_scoped3A_72 : memref<!tpu.dma_semaphore, #tpu.memory_space<semaphore_mem>>) src(%dma_wait3A_80 : memref<632x128xf32, #tpu.memory_space<hbm>>) dst(%dma_wait3A_78 : memref<632x128xf32, #tpu.memory_space<vmem_shared>>)
      tpu.yield
    }) : () -> ()
    %barrier3A = arith.constant 0 : index
    tpu.barrier barrier_id(%barrier3A)
    "tpu.region"() ({
      %run_scoped3A_72 = tpu.sem_alloc : memref<!tpu.dma_semaphore, #tpu.memory_space<semaphore_mem>>
      %dma_start3A_73 = arith.constant 0 : i32
      %dma_start3A_74 = arith.constant 0 : i32
      %dma_start3A_75 = tpu.memref_slice %arg7[%dma_start3A_73, %dma_start3A_74] : memref<80x128xi32, #tpu.memory_space<vmem>> -> memref<40x128xi32, #tpu.memory_space<vmem>>
      %dma_start3A_76 = arith.constant 0 : i32
      %dma_start3A_77 = arith.constant 0 : i32
      %dma_start3A_78 = tpu.memref_slice %arg3[%add3A, %dma_start3A_76, %dma_start3A_77] : memref<32x80x128xi32, #tpu.memory_space<hbm>> -> memref<1x80x128xi32, #tpu.memory_space<hbm>>
      %dma_start3A_79 = tpu.memref_squeeze %dma_start3A_78 : memref<1x80x128xi32, #tpu.memory_space<hbm>> -> memref<80x128xi32, #tpu.memory_space<hbm>>
      %dma_start3A_80 = arith.constant 0 : i32
      %dma_start3A_81 = arith.constant 0 : i32
      %dma_start3A_82 = tpu.memref_slice %dma_start3A_79[%dma_start3A_80, %dma_start3A_81] : memref<80x128xi32, #tpu.memory_space<hbm>> -> memref<40x128xi32, #tpu.memory_space<hbm>>
      %dma_start3A_83 = arith.constant 0 : i32
      %dma_start3A_84 = arith.constant 0 : i32
      %dma_start3A_85 = tpu.memref_slice %arg7[%dma_start3A_83, %dma_start3A_84] : memref<80x128xi32, #tpu.memory_space<vmem>> -> memref<40x128xi32, #tpu.memory_space<vmem>>
      %dma_start3A_86 = arith.constant 0 : i32
      %dma_start3A_87 = arith.constant 0 : i32
      %dma_start3A_88 = tpu.memref_slice %arg3[%add3A, %dma_start3A_86, %dma_start3A_87] : memref<32x80x128xi32, #tpu.memory_space<hbm>> -> memref<1x80x128xi32, #tpu.memory_space<hbm>>
      %dma_start3A_89 = tpu.memref_squeeze %dma_start3A_88 : memref<1x80x128xi32, #tpu.memory_space<hbm>> -> memref<80x128xi32, #tpu.memory_space<hbm>>
      %dma_start3A_90 = arith.constant 0 : i32
      %dma_start3A_91 = arith.constant 0 : i32
      %dma_start3A_92 = tpu.memref_slice %dma_start3A_89[%dma_start3A_90, %dma_start3A_91] : memref<80x128xi32, #tpu.memory_space<hbm>> -> memref<40x128xi32, #tpu.memory_space<hbm>>
      tpu.enqueue_dma source(%dma_start3A_92 : memref<40x128xi32, #tpu.memory_space<hbm>>) target(%dma_start3A_85 : memref<40x128xi32, #tpu.memory_space<vmem>>) target_semaphore(%run_scoped3A_72 : memref<!tpu.dma_semaphore, #tpu.memory_space<semaphore_mem>>)
      %dma_wait3A_93 = arith.constant 0 : i32
      %dma_wait3A_94 = arith.constant 0 : i32
      %dma_wait3A_95 = tpu.memref_slice %arg7[%dma_wait3A_93, %dma_wait3A_94] : memref<80x128xi32, #tpu.memory_space<vmem>> -> memref<40x128xi32, #tpu.memory_space<vmem>>
      %dma_wait3A_96 = arith.constant 0 : i32
      %dma_wait3A_97 = arith.constant 0 : i32
      %dma_wait3A_98 = tpu.memref_slice %arg3[%add3A, %dma_wait3A_96, %dma_wait3A_97] : memref<32x80x128xi32, #tpu.memory_space<hbm>> -> memref<1x80x128xi32, #tpu.memory_space<hbm>>
      %dma_wait3A_99 = tpu.memref_squeeze %dma_wait3A_98 : memref<1x80x128xi32, #tpu.memory_space<hbm>> -> memref<80x128xi32, #tpu.memory_space<hbm>>
      %dma_wait3A_100 = arith.constant 0 : i32
      %dma_wait3A_101 = arith.constant 0 : i32
      %dma_wait3A_102 = tpu.memref_slice %dma_wait3A_99[%dma_wait3A_100, %dma_wait3A_101] : memref<80x128xi32, #tpu.memory_space<hbm>> -> memref<40x128xi32, #tpu.memory_space<hbm>>
      %dma_wait3A_103 = arith.constant 0 : i32
      %dma_wait3A_104 = arith.constant 0 : i32
      %dma_wait3A_105 = tpu.memref_slice %arg7[%dma_wait3A_103, %dma_wait3A_104] : memref<80x128xi32, #tpu.memory_space<vmem>> -> memref<40x128xi32, #tpu.memory_space<vmem>>
      %dma_wait3A_106 = arith.constant 0 : i32
      %dma_wait3A_107 = arith.constant 0 : i32
      %dma_wait3A_108 = tpu.memref_slice %arg3[%add3A, %dma_wait3A_106, %dma_wait3A_107] : memref<32x80x128xi32, #tpu.memory_space<hbm>> -> memref<1x80x128xi32, #tpu.memory_space<hbm>>
      %dma_wait3A_109 = tpu.memref_squeeze %dma_wait3A_108 : memref<1x80x128xi32, #tpu.memory_space<hbm>> -> memref<80x128xi32, #tpu.memory_space<hbm>>
      %dma_wait3A_110 = arith.constant 0 : i32
      %dma_wait3A_111 = arith.constant 0 : i32
      %dma_wait3A_112 = tpu.memref_slice %dma_wait3A_109[%dma_wait3A_110, %dma_wait3A_111] : memref<80x128xi32, #tpu.memory_space<hbm>> -> memref<40x128xi32, #tpu.memory_space<hbm>>
      tpu.wait_dma2 semaphore(%run_scoped3A_72 : memref<!tpu.dma_semaphore, #tpu.memory_space<semaphore_mem>>) src(%dma_wait3A_112 : memref<40x128xi32, #tpu.memory_space<hbm>>) dst(%dma_wait3A_105 : memref<40x128xi32, #tpu.memory_space<vmem>>)
      tpu.yield
    }) : () -> ()
    "tpu.region"() ({
      %run_scoped3A_72 = tpu.sem_alloc : memref<!tpu.dma_semaphore, #tpu.memory_space<semaphore_mem>>
      %dma_start3A_73 = arith.constant 40 : i32
      %dma_start3A_74 = arith.constant 0 : i32
      %dma_start3A_75 = tpu.memref_slice %arg7[%dma_start3A_73, %dma_start3A_74] : memref<80x128xi32, #tpu.memory_space<vmem>> -> memref<40x128xi32, #tpu.memory_space<vmem>>
      %dma_start3A_76 = arith.constant 0 : i32
      %dma_start3A_77 = arith.constant 0 : i32
      %dma_start3A_78 = tpu.memref_slice %arg4[%add3A, %dma_start3A_76, %dma_start3A_77] : memref<32x80x128xi32, #tpu.memory_space<hbm>> -> memref<1x80x128xi32, #tpu.memory_space<hbm>>
      %dma_start3A_79 = tpu.memref_squeeze %dma_start3A_78 : memref<1x80x128xi32, #tpu.memory_space<hbm>> -> memref<80x128xi32, #tpu.memory_space<hbm>>
      %dma_start3A_80 = arith.constant 0 : i32
      %dma_start3A_81 = arith.constant 0 : i32
      %dma_start3A_82 = tpu.memref_slice %dma_start3A_79[%dma_start3A_80, %dma_start3A_81] : memref<80x128xi32, #tpu.memory_space<hbm>> -> memref<40x128xi32, #tpu.memory_space<hbm>>
      %dma_start3A_83 = arith.constant 40 : i32
      %dma_start3A_84 = arith.constant 0 : i32
      %dma_start3A_85 = tpu.memref_slice %arg7[%dma_start3A_83, %dma_start3A_84] : memref<80x128xi32, #tpu.memory_space<vmem>> -> memref<40x128xi32, #tpu.memory_space<vmem>>
      %dma_start3A_86 = arith.constant 0 : i32
      %dma_start3A_87 = arith.constant 0 : i32
      %dma_start3A_88 = tpu.memref_slice %arg4[%add3A, %dma_start3A_86, %dma_start3A_87] : memref<32x80x128xi32, #tpu.memory_space<hbm>> -> memref<1x80x128xi32, #tpu.memory_space<hbm>>
      %dma_start3A_89 = tpu.memref_squeeze %dma_start3A_88 : memref<1x80x128xi32, #tpu.memory_space<hbm>> -> memref<80x128xi32, #tpu.memory_space<hbm>>
      %dma_start3A_90 = arith.constant 0 : i32
      %dma_start3A_91 = arith.constant 0 : i32
      %dma_start3A_92 = tpu.memref_slice %dma_start3A_89[%dma_start3A_90, %dma_start3A_91] : memref<80x128xi32, #tpu.memory_space<hbm>> -> memref<40x128xi32, #tpu.memory_space<hbm>>
      tpu.enqueue_dma source(%dma_start3A_92 : memref<40x128xi32, #tpu.memory_space<hbm>>) target(%dma_start3A_85 : memref<40x128xi32, #tpu.memory_space<vmem>>) target_semaphore(%run_scoped3A_72 : memref<!tpu.dma_semaphore, #tpu.memory_space<semaphore_mem>>)
      %dma_wait3A_93 = arith.constant 40 : i32
      %dma_wait3A_94 = arith.constant 0 : i32
      %dma_wait3A_95 = tpu.memref_slice %arg7[%dma_wait3A_93, %dma_wait3A_94] : memref<80x128xi32, #tpu.memory_space<vmem>> -> memref<40x128xi32, #tpu.memory_space<vmem>>
      %dma_wait3A_96 = arith.constant 0 : i32
      %dma_wait3A_97 = arith.constant 0 : i32
      %dma_wait3A_98 = tpu.memref_slice %arg4[%add3A, %dma_wait3A_96, %dma_wait3A_97] : memref<32x80x128xi32, #tpu.memory_space<hbm>> -> memref<1x80x128xi32, #tpu.memory_space<hbm>>
      %dma_wait3A_99 = tpu.memref_squeeze %dma_wait3A_98 : memref<1x80x128xi32, #tpu.memory_space<hbm>> -> memref<80x128xi32, #tpu.memory_space<hbm>>
      %dma_wait3A_100 = arith.constant 0 : i32
      %dma_wait3A_101 = arith.constant 0 : i32
      %dma_wait3A_102 = tpu.memref_slice %dma_wait3A_99[%dma_wait3A_100, %dma_wait3A_101] : memref<80x128xi32, #tpu.memory_space<hbm>> -> memref<40x128xi32, #tpu.memory_space<hbm>>
      %dma_wait3A_103 = arith.constant 40 : i32
      %dma_wait3A_104 = arith.constant 0 : i32
      %dma_wait3A_105 = tpu.memref_slice %arg7[%dma_wait3A_103, %dma_wait3A_104] : memref<80x128xi32, #tpu.memory_space<vmem>> -> memref<40x128xi32, #tpu.memory_space<vmem>>
      %dma_wait3A_106 = arith.constant 0 : i32
      %dma_wait3A_107 = arith.constant 0 : i32
      %dma_wait3A_108 = tpu.memref_slice %arg4[%add3A, %dma_wait3A_106, %dma_wait3A_107] : memref<32x80x128xi32, #tpu.memory_space<hbm>> -> memref<1x80x128xi32, #tpu.memory_space<hbm>>
      %dma_wait3A_109 = tpu.memref_squeeze %dma_wait3A_108 : memref<1x80x128xi32, #tpu.memory_space<hbm>> -> memref<80x128xi32, #tpu.memory_space<hbm>>
      %dma_wait3A_110 = arith.constant 0 : i32
      %dma_wait3A_111 = arith.constant 0 : i32
      %dma_wait3A_112 = tpu.memref_slice %dma_wait3A_109[%dma_wait3A_110, %dma_wait3A_111] : memref<80x128xi32, #tpu.memory_space<hbm>> -> memref<40x128xi32, #tpu.memory_space<hbm>>
      tpu.wait_dma2 semaphore(%run_scoped3A_72 : memref<!tpu.dma_semaphore, #tpu.memory_space<semaphore_mem>>) src(%dma_wait3A_112 : memref<40x128xi32, #tpu.memory_space<hbm>>) dst(%dma_wait3A_105 : memref<40x128xi32, #tpu.memory_space<vmem>>)
      tpu.yield
    }) : () -> ()
    %dma_start3A = arith.constant 0 : i32
    %dma_start3A_5 = arith.constant 0 : i32
    %dma_start3A_6 = tpu.memref_slice %arg7[%dma_start3A, %dma_start3A_5] : memref<80x128xi32, #tpu.memory_space<vmem>> -> memref<1x128xi32, #tpu.memory_space<vmem>>
    %dma_start3A_7 = tpu.memref_squeeze %dma_start3A_6 : memref<1x128xi32, #tpu.memory_space<vmem>> -> memref<128xi32, #tpu.memory_space<vmem>>
    %dma_start3A_8 = arith.constant 0 : i32
    %dma_start3A_9 = arith.constant 0 : i32
    %dma_start3A_10 = tpu.memref_slice %arg2[%dma_start3A_8, %dma_start3A_9] : memref<10000x128xf32, #tpu.memory_space<hbm>> -> memref<10000x128xf32, #tpu.memory_space<hbm>>
    tpu.enqueue_indirect_dma source(%dma_start3A_10 : memref<10000x128xf32, #tpu.memory_space<hbm>>) target(%arg8 : memref<128x128xf32, #tpu.memory_space<vmem>>) offsets(%dma_start3A_7 : memref<128xi32, #tpu.memory_space<vmem>>) semaphore(%arg11 : memref<!tpu.dma_semaphore, #tpu.memory_space<semaphore_mem>>)
    %scan3A = arith.constant 0 : i32
    %scan3A_11 = arith.constant 19 : i32
    %scan3A_12 = arith.addi %scan3A, %scan3A_11 : i32
    %scan3A_13 = arith.constant 1 : i32
    scf.for %scan3A_72 = %scan3A to %scan3A_12 step %scan3A_13  : i32 {
      %mul3A_73 = arith.constant 1 : i32
      %mul3A_74 = arith.muli %scan3A_72, %mul3A_73 : i32
      %add3A_75 = arith.constant 0 : i32
      %add3A_76 = arith.addi %add3A_75, %mul3A_74 : i32
      %mul3A_77 = arith.constant 2 : i32
      %mul3A_78 = arith.muli %add3A_76, %mul3A_77 : i32
      %add3A_79 = arith.constant 1 : i32
      %add3A_80 = arith.addi %mul3A_78, %add3A_79 : i32
      %dma_start3A_81 = arith.constant 0 : i32
      %dma_start3A_82 = tpu.memref_slice %arg7[%add3A_80, %dma_start3A_81] : memref<80x128xi32, #tpu.memory_space<vmem>> -> memref<1x128xi32, #tpu.memory_space<vmem>>
      %dma_start3A_83 = tpu.memref_squeeze %dma_start3A_82 : memref<1x128xi32, #tpu.memory_space<vmem>> -> memref<128xi32, #tpu.memory_space<vmem>>
      %dma_start3A_84 = arith.constant 0 : i32
      %dma_start3A_85 = arith.constant 0 : i32
      %dma_start3A_86 = tpu.memref_slice %arg2[%dma_start3A_84, %dma_start3A_85] : memref<10000x128xf32, #tpu.memory_space<hbm>> -> memref<10000x128xf32, #tpu.memory_space<hbm>>
      tpu.enqueue_indirect_dma source(%dma_start3A_86 : memref<10000x128xf32, #tpu.memory_space<hbm>>) target(%arg9 : memref<128x128xf32, #tpu.memory_space<vmem>>) offsets(%dma_start3A_83 : memref<128xi32, #tpu.memory_space<vmem>>) semaphore(%arg12 : memref<!tpu.dma_semaphore, #tpu.memory_space<semaphore_mem>>)
      %dma_wait3A_87 = arith.constant 0 : i32
      %dma_wait3A_88 = arith.constant 0 : i32
      %dma_wait3A_89 = tpu.memref_slice %arg2[%dma_wait3A_87, %dma_wait3A_88] : memref<10000x128xf32, #tpu.memory_space<hbm>> -> memref<128x128xf32, #tpu.memory_space<hbm>>
      %dma_wait3A_90 = arith.constant 0 : i32
      %dma_wait3A_91 = arith.constant 0 : i32
      %dma_wait3A_92 = tpu.memref_slice %arg2[%dma_wait3A_90, %dma_wait3A_91] : memref<10000x128xf32, #tpu.memory_space<hbm>> -> memref<128x128xf32, #tpu.memory_space<hbm>>
      tpu.wait_dma2 semaphore(%arg11 : memref<!tpu.dma_semaphore, #tpu.memory_space<semaphore_mem>>) src(%dma_wait3A_92 : memref<128x128xf32, #tpu.memory_space<hbm>>) dst(%arg8 : memref<128x128xf32, #tpu.memory_space<vmem>>)
      %add3A_93 = arith.constant 40 : i32
      %add3A_94 = arith.addi %add3A_93, %mul3A_78 : i32
      "tpu.region"() ({
        %run_scoped3A_113 = tpu.sem_alloc : memref<!tpu.dma_semaphore, #tpu.memory_space<semaphore_mem>>
        %dma_start3A_114 = arith.constant 0 : i32
        %dma_start3A_115 = tpu.memref_slice %arg7[%add3A_94, %dma_start3A_114] : memref<80x128xi32, #tpu.memory_space<vmem>> -> memref<1x128xi32, #tpu.memory_space<vmem>>
        %dma_start3A_116 = tpu.memref_squeeze %dma_start3A_115 : memref<1x128xi32, #tpu.memory_space<vmem>> -> memref<128xi32, #tpu.memory_space<vmem>>
        %dma_start3A_117 = arith.constant 0 : i32
        %dma_start3A_118 = arith.constant 0 : i32
        %dma_start3A_119 = tpu.memref_slice %arg10[%dma_start3A_117, %dma_start3A_118] : memref<10112x128xf32, #tpu.memory_space<vmem_shared>> -> memref<10112x128xf32, #tpu.memory_space<vmem_shared>>
        tpu.enqueue_indirect_dma source(%arg8 : memref<128x128xf32, #tpu.memory_space<vmem>>) target(%dma_start3A_119 : memref<10112x128xf32, #tpu.memory_space<vmem_shared>>) offsets(%dma_start3A_116 : memref<128xi32, #tpu.memory_space<vmem>>) semaphore(%run_scoped3A_113 : memref<!tpu.dma_semaphore, #tpu.memory_space<semaphore_mem>>) {add = true}
        %dma_wait3A_120 = arith.constant 0 : i32
        %dma_wait3A_121 = tpu.memref_slice %arg7[%add3A_94, %dma_wait3A_120] : memref<80x128xi32, #tpu.memory_space<vmem>> -> memref<1x128xi32, #tpu.memory_space<vmem>>
        %dma_wait3A_122 = tpu.memref_squeeze %dma_wait3A_121 : memref<1x128xi32, #tpu.memory_space<vmem>> -> memref<128xi32, #tpu.memory_space<vmem>>
        %dma_wait3A_123 = arith.constant 0 : i32
        %dma_wait3A_124 = arith.constant 0 : i32
        %dma_wait3A_125 = tpu.memref_slice %arg10[%dma_wait3A_123, %dma_wait3A_124] : memref<10112x128xf32, #tpu.memory_space<vmem_shared>> -> memref<10112x128xf32, #tpu.memory_space<vmem_shared>>
        tpu.wait_indirect_dma semaphore(%run_scoped3A_113 : memref<!tpu.dma_semaphore, #tpu.memory_space<semaphore_mem>>) src(%arg8 : memref<128x128xf32, #tpu.memory_space<vmem>>) dst(%dma_wait3A_125 : memref<10112x128xf32, #tpu.memory_space<vmem_shared>>)
        tpu.yield
      }) : () -> ()
      %add3A_95 = arith.constant 2 : i32
      %add3A_96 = arith.addi %mul3A_78, %add3A_95 : i32
      %dma_start3A_97 = arith.constant 0 : i32
      %dma_start3A_98 = tpu.memref_slice %arg7[%add3A_96, %dma_start3A_97] : memref<80x128xi32, #tpu.memory_space<vmem>> -> memref<1x128xi32, #tpu.memory_space<vmem>>
      %dma_start3A_99 = tpu.memref_squeeze %dma_start3A_98 : memref<1x128xi32, #tpu.memory_space<vmem>> -> memref<128xi32, #tpu.memory_space<vmem>>
      %dma_start3A_100 = arith.constant 0 : i32
      %dma_start3A_101 = arith.constant 0 : i32
      %dma_start3A_102 = tpu.memref_slice %arg2[%dma_start3A_100, %dma_start3A_101] : memref<10000x128xf32, #tpu.memory_space<hbm>> -> memref<10000x128xf32, #tpu.memory_space<hbm>>
      tpu.enqueue_indirect_dma source(%dma_start3A_102 : memref<10000x128xf32, #tpu.memory_space<hbm>>) target(%arg8 : memref<128x128xf32, #tpu.memory_space<vmem>>) offsets(%dma_start3A_99 : memref<128xi32, #tpu.memory_space<vmem>>) semaphore(%arg11 : memref<!tpu.dma_semaphore, #tpu.memory_space<semaphore_mem>>)
      %dma_wait3A_103 = arith.constant 0 : i32
      %dma_wait3A_104 = arith.constant 0 : i32
      %dma_wait3A_105 = tpu.memref_slice %arg2[%dma_wait3A_103, %dma_wait3A_104] : memref<10000x128xf32, #tpu.memory_space<hbm>> -> memref<128x128xf32, #tpu.memory_space<hbm>>
      %dma_wait3A_106 = arith.constant 0 : i32
      %dma_wait3A_107 = arith.constant 0 : i32
      %dma_wait3A_108 = tpu.memref_slice %arg2[%dma_wait3A_106, %dma_wait3A_107] : memref<10000x128xf32, #tpu.memory_space<hbm>> -> memref<128x128xf32, #tpu.memory_space<hbm>>
      tpu.wait_dma2 semaphore(%arg12 : memref<!tpu.dma_semaphore, #tpu.memory_space<semaphore_mem>>) src(%dma_wait3A_108 : memref<128x128xf32, #tpu.memory_space<hbm>>) dst(%arg9 : memref<128x128xf32, #tpu.memory_space<vmem>>)
      %add3A_109 = arith.constant 40 : i32
      %add3A_110 = arith.addi %add3A_109, %mul3A_78 : i32
      %add3A_111 = arith.constant 1 : i32
      %add3A_112 = arith.addi %add3A_110, %add3A_111 : i32
      "tpu.region"() ({
        %run_scoped3A_113 = tpu.sem_alloc : memref<!tpu.dma_semaphore, #tpu.memory_space<semaphore_mem>>
        %dma_start3A_114 = arith.constant 0 : i32
        %dma_start3A_115 = tpu.memref_slice %arg7[%add3A_112, %dma_start3A_114] : memref<80x128xi32, #tpu.memory_space<vmem>> -> memref<1x128xi32, #tpu.memory_space<vmem>>
        %dma_start3A_116 = tpu.memref_squeeze %dma_start3A_115 : memref<1x128xi32, #tpu.memory_space<vmem>> -> memref<128xi32, #tpu.memory_space<vmem>>
        %dma_start3A_117 = arith.constant 0 : i32
        %dma_start3A_118 = arith.constant 0 : i32
        %dma_start3A_119 = tpu.memref_slice %arg10[%dma_start3A_117, %dma_start3A_118] : memref<10112x128xf32, #tpu.memory_space<vmem_shared>> -> memref<10112x128xf32, #tpu.memory_space<vmem_shared>>
        tpu.enqueue_indirect_dma source(%arg9 : memref<128x128xf32, #tpu.memory_space<vmem>>) target(%dma_start3A_119 : memref<10112x128xf32, #tpu.memory_space<vmem_shared>>) offsets(%dma_start3A_116 : memref<128xi32, #tpu.memory_space<vmem>>) semaphore(%run_scoped3A_113 : memref<!tpu.dma_semaphore, #tpu.memory_space<semaphore_mem>>) {add = true}
        %dma_wait3A_120 = arith.constant 0 : i32
        %dma_wait3A_121 = tpu.memref_slice %arg7[%add3A_112, %dma_wait3A_120] : memref<80x128xi32, #tpu.memory_space<vmem>> -> memref<1x128xi32, #tpu.memory_space<vmem>>
        %dma_wait3A_122 = tpu.memref_squeeze %dma_wait3A_121 : memref<1x128xi32, #tpu.memory_space<vmem>> -> memref<128xi32, #tpu.memory_space<vmem>>
        %dma_wait3A_123 = arith.constant 0 : i32
        %dma_wait3A_124 = arith.constant 0 : i32
        %dma_wait3A_125 = tpu.memref_slice %arg10[%dma_wait3A_123, %dma_wait3A_124] : memref<10112x128xf32, #tpu.memory_space<vmem_shared>> -> memref<10112x128xf32, #tpu.memory_space<vmem_shared>>
        tpu.wait_indirect_dma semaphore(%run_scoped3A_113 : memref<!tpu.dma_semaphore, #tpu.memory_space<semaphore_mem>>) src(%arg9 : memref<128x128xf32, #tpu.memory_space<vmem>>) dst(%dma_wait3A_125 : memref<10112x128xf32, #tpu.memory_space<vmem_shared>>)
        tpu.yield
      }) : () -> ()
    }
    %scan3A_14 = arith.constant 19 : i32
    %dma_start3A_15 = arith.constant 39 : i32
    %dma_start3A_16 = arith.constant 0 : i32
    %dma_start3A_17 = tpu.memref_slice %arg7[%dma_start3A_15, %dma_start3A_16] : memref<80x128xi32, #tpu.memory_space<vmem>> -> memref<1x128xi32, #tpu.memory_space<vmem>>
    %dma_start3A_18 = tpu.memref_squeeze %dma_start3A_17 : memref<1x128xi32, #tpu.memory_space<vmem>> -> memref<128xi32, #tpu.memory_space<vmem>>
    %dma_start3A_19 = arith.constant 0 : i32
    %dma_start3A_20 = arith.constant 0 : i32
    %dma_start3A_21 = tpu.memref_slice %arg2[%dma_start3A_19, %dma_start3A_20] : memref<10000x128xf32, #tpu.memory_space<hbm>> -> memref<10000x128xf32, #tpu.memory_space<hbm>>
    tpu.enqueue_indirect_dma source(%dma_start3A_21 : memref<10000x128xf32, #tpu.memory_space<hbm>>) target(%arg9 : memref<128x128xf32, #tpu.memory_space<vmem>>) offsets(%dma_start3A_18 : memref<128xi32, #tpu.memory_space<vmem>>) semaphore(%arg12 : memref<!tpu.dma_semaphore, #tpu.memory_space<semaphore_mem>>)
    %dma_wait3A = arith.constant 0 : i32
    %dma_wait3A_22 = arith.constant 0 : i32
    %dma_wait3A_23 = tpu.memref_slice %arg2[%dma_wait3A, %dma_wait3A_22] : memref<10000x128xf32, #tpu.memory_space<hbm>> -> memref<128x128xf32, #tpu.memory_space<hbm>>
    %dma_wait3A_24 = arith.constant 0 : i32
    %dma_wait3A_25 = arith.constant 0 : i32
    %dma_wait3A_26 = tpu.memref_slice %arg2[%dma_wait3A_24, %dma_wait3A_25] : memref<10000x128xf32, #tpu.memory_space<hbm>> -> memref<128x128xf32, #tpu.memory_space<hbm>>
    tpu.wait_dma2 semaphore(%arg11 : memref<!tpu.dma_semaphore, #tpu.memory_space<semaphore_mem>>) src(%dma_wait3A_26 : memref<128x128xf32, #tpu.memory_space<hbm>>) dst(%arg8 : memref<128x128xf32, #tpu.memory_space<vmem>>)
    %run_scoped3A = arith.constant 78 : i32
    "tpu.region"() ({
      %run_scoped3A_72 = tpu.sem_alloc : memref<!tpu.dma_semaphore, #tpu.memory_space<semaphore_mem>>
      %dma_start3A_73 = arith.constant 0 : i32
      %dma_start3A_74 = tpu.memref_slice %arg7[%run_scoped3A, %dma_start3A_73] : memref<80x128xi32, #tpu.memory_space<vmem>> -> memref<1x128xi32, #tpu.memory_space<vmem>>
      %dma_start3A_75 = tpu.memref_squeeze %dma_start3A_74 : memref<1x128xi32, #tpu.memory_space<vmem>> -> memref<128xi32, #tpu.memory_space<vmem>>
      %dma_start3A_76 = arith.constant 0 : i32
      %dma_start3A_77 = arith.constant 0 : i32
      %dma_start3A_78 = tpu.memref_slice %arg10[%dma_start3A_76, %dma_start3A_77] : memref<10112x128xf32, #tpu.memory_space<vmem_shared>> -> memref<10112x128xf32, #tpu.memory_space<vmem_shared>>
      tpu.enqueue_indirect_dma source(%arg8 : memref<128x128xf32, #tpu.memory_space<vmem>>) target(%dma_start3A_78 : memref<10112x128xf32, #tpu.memory_space<vmem_shared>>) offsets(%dma_start3A_75 : memref<128xi32, #tpu.memory_space<vmem>>) semaphore(%run_scoped3A_72 : memref<!tpu.dma_semaphore, #tpu.memory_space<semaphore_mem>>) {add = true}
      %dma_wait3A_79 = arith.constant 0 : i32
      %dma_wait3A_80 = tpu.memref_slice %arg7[%run_scoped3A, %dma_wait3A_79] : memref<80x128xi32, #tpu.memory_space<vmem>> -> memref<1x128xi32, #tpu.memory_space<vmem>>
      %dma_wait3A_81 = tpu.memref_squeeze %dma_wait3A_80 : memref<1x128xi32, #tpu.memory_space<vmem>> -> memref<128xi32, #tpu.memory_space<vmem>>
      %dma_wait3A_82 = arith.constant 0 : i32
      %dma_wait3A_83 = arith.constant 0 : i32
      %dma_wait3A_84 = tpu.memref_slice %arg10[%dma_wait3A_82, %dma_wait3A_83] : memref<10112x128xf32, #tpu.memory_space<vmem_shared>> -> memref<10112x128xf32, #tpu.memory_space<vmem_shared>>
      tpu.wait_indirect_dma semaphore(%run_scoped3A_72 : memref<!tpu.dma_semaphore, #tpu.memory_space<semaphore_mem>>) src(%arg8 : memref<128x128xf32, #tpu.memory_space<vmem>>) dst(%dma_wait3A_84 : memref<10112x128xf32, #tpu.memory_space<vmem_shared>>)
      tpu.yield
    }) : () -> ()
    %dma_wait3A_27 = arith.constant 0 : i32
    %dma_wait3A_28 = arith.constant 0 : i32
    %dma_wait3A_29 = tpu.memref_slice %arg2[%dma_wait3A_27, %dma_wait3A_28] : memref<10000x128xf32, #tpu.memory_space<hbm>> -> memref<128x128xf32, #tpu.memory_space<hbm>>
    %dma_wait3A_30 = arith.constant 0 : i32
    %dma_wait3A_31 = arith.constant 0 : i32
    %dma_wait3A_32 = tpu.memref_slice %arg2[%dma_wait3A_30, %dma_wait3A_31] : memref<10000x128xf32, #tpu.memory_space<hbm>> -> memref<128x128xf32, #tpu.memory_space<hbm>>
    tpu.wait_dma2 semaphore(%arg12 : memref<!tpu.dma_semaphore, #tpu.memory_space<semaphore_mem>>) src(%dma_wait3A_32 : memref<128x128xf32, #tpu.memory_space<hbm>>) dst(%arg9 : memref<128x128xf32, #tpu.memory_space<vmem>>)
    %run_scoped3A_33 = arith.constant 79 : i32
    "tpu.region"() ({
      %run_scoped3A_72 = tpu.sem_alloc : memref<!tpu.dma_semaphore, #tpu.memory_space<semaphore_mem>>
      %dma_start3A_73 = arith.constant 0 : i32
      %dma_start3A_74 = tpu.memref_slice %arg7[%run_scoped3A_33, %dma_start3A_73] : memref<80x128xi32, #tpu.memory_space<vmem>> -> memref<1x128xi32, #tpu.memory_space<vmem>>
      %dma_start3A_75 = tpu.memref_squeeze %dma_start3A_74 : memref<1x128xi32, #tpu.memory_space<vmem>> -> memref<128xi32, #tpu.memory_space<vmem>>
      %dma_start3A_76 = arith.constant 0 : i32
      %dma_start3A_77 = arith.constant 0 : i32
      %dma_start3A_78 = tpu.memref_slice %arg10[%dma_start3A_76, %dma_start3A_77] : memref<10112x128xf32, #tpu.memory_space<vmem_shared>> -> memref<10112x128xf32, #tpu.memory_space<vmem_shared>>
      tpu.enqueue_indirect_dma source(%arg9 : memref<128x128xf32, #tpu.memory_space<vmem>>) target(%dma_start3A_78 : memref<10112x128xf32, #tpu.memory_space<vmem_shared>>) offsets(%dma_start3A_75 : memref<128xi32, #tpu.memory_space<vmem>>) semaphore(%run_scoped3A_72 : memref<!tpu.dma_semaphore, #tpu.memory_space<semaphore_mem>>) {add = true}
      %dma_wait3A_79 = arith.constant 0 : i32
      %dma_wait3A_80 = tpu.memref_slice %arg7[%run_scoped3A_33, %dma_wait3A_79] : memref<80x128xi32, #tpu.memory_space<vmem>> -> memref<1x128xi32, #tpu.memory_space<vmem>>
      %dma_wait3A_81 = tpu.memref_squeeze %dma_wait3A_80 : memref<1x128xi32, #tpu.memory_space<vmem>> -> memref<128xi32, #tpu.memory_space<vmem>>
      %dma_wait3A_82 = arith.constant 0 : i32
      %dma_wait3A_83 = arith.constant 0 : i32
      %dma_wait3A_84 = tpu.memref_slice %arg10[%dma_wait3A_82, %dma_wait3A_83] : memref<10112x128xf32, #tpu.memory_space<vmem_shared>> -> memref<10112x128xf32, #tpu.memory_space<vmem_shared>>
      tpu.wait_indirect_dma semaphore(%run_scoped3A_72 : memref<!tpu.dma_semaphore, #tpu.memory_space<semaphore_mem>>) src(%arg9 : memref<128x128xf32, #tpu.memory_space<vmem>>) dst(%dma_wait3A_84 : memref<10112x128xf32, #tpu.memory_space<vmem_shared>>)
      tpu.yield
    }) : () -> ()
    "tpu.region"() ({
      %run_scoped3A_72 = tpu.sem_alloc : memref<!tpu.dma_semaphore, #tpu.memory_space<semaphore_mem>>
      %dma_start3A_73 = arith.constant 0 : i32
      %dma_start3A_74 = arith.constant 0 : i32
      %dma_start3A_75 = tpu.memref_slice %arg7[%dma_start3A_73, %dma_start3A_74] : memref<80x128xi32, #tpu.memory_space<vmem>> -> memref<40x128xi32, #tpu.memory_space<vmem>>
      %dma_start3A_76 = arith.constant 0 : i32
      %dma_start3A_77 = arith.constant 0 : i32
      %dma_start3A_78 = tpu.memref_slice %arg3[%add3A, %dma_start3A_76, %dma_start3A_77] : memref<32x80x128xi32, #tpu.memory_space<hbm>> -> memref<1x80x128xi32, #tpu.memory_space<hbm>>
      %dma_start3A_79 = tpu.memref_squeeze %dma_start3A_78 : memref<1x80x128xi32, #tpu.memory_space<hbm>> -> memref<80x128xi32, #tpu.memory_space<hbm>>
      %dma_start3A_80 = arith.constant 40 : i32
      %dma_start3A_81 = arith.constant 0 : i32
      %dma_start3A_82 = tpu.memref_slice %dma_start3A_79[%dma_start3A_80, %dma_start3A_81] : memref<80x128xi32, #tpu.memory_space<hbm>> -> memref<40x128xi32, #tpu.memory_space<hbm>>
      %dma_start3A_83 = arith.constant 0 : i32
      %dma_start3A_84 = arith.constant 0 : i32
      %dma_start3A_85 = tpu.memref_slice %arg7[%dma_start3A_83, %dma_start3A_84] : memref<80x128xi32, #tpu.memory_space<vmem>> -> memref<40x128xi32, #tpu.memory_space<vmem>>
      %dma_start3A_86 = arith.constant 0 : i32
      %dma_start3A_87 = arith.constant 0 : i32
      %dma_start3A_88 = tpu.memref_slice %arg3[%add3A, %dma_start3A_86, %dma_start3A_87] : memref<32x80x128xi32, #tpu.memory_space<hbm>> -> memref<1x80x128xi32, #tpu.memory_space<hbm>>
      %dma_start3A_89 = tpu.memref_squeeze %dma_start3A_88 : memref<1x80x128xi32, #tpu.memory_space<hbm>> -> memref<80x128xi32, #tpu.memory_space<hbm>>
      %dma_start3A_90 = arith.constant 40 : i32
      %dma_start3A_91 = arith.constant 0 : i32
      %dma_start3A_92 = tpu.memref_slice %dma_start3A_89[%dma_start3A_90, %dma_start3A_91] : memref<80x128xi32, #tpu.memory_space<hbm>> -> memref<40x128xi32, #tpu.memory_space<hbm>>
      tpu.enqueue_dma source(%dma_start3A_92 : memref<40x128xi32, #tpu.memory_space<hbm>>) target(%dma_start3A_85 : memref<40x128xi32, #tpu.memory_space<vmem>>) target_semaphore(%run_scoped3A_72 : memref<!tpu.dma_semaphore, #tpu.memory_space<semaphore_mem>>)
      %dma_wait3A_93 = arith.constant 0 : i32
      %dma_wait3A_94 = arith.constant 0 : i32
      %dma_wait3A_95 = tpu.memref_slice %arg7[%dma_wait3A_93, %dma_wait3A_94] : memref<80x128xi32, #tpu.memory_space<vmem>> -> memref<40x128xi32, #tpu.memory_space<vmem>>
      %dma_wait3A_96 = arith.constant 0 : i32
      %dma_wait3A_97 = arith.constant 0 : i32
      %dma_wait3A_98 = tpu.memref_slice %arg3[%add3A, %dma_wait3A_96, %dma_wait3A_97] : memref<32x80x128xi32, #tpu.memory_space<hbm>> -> memref<1x80x128xi32, #tpu.memory_space<hbm>>
      %dma_wait3A_99 = tpu.memref_squeeze %dma_wait3A_98 : memref<1x80x128xi32, #tpu.memory_space<hbm>> -> memref<80x128xi32, #tpu.memory_space<hbm>>
      %dma_wait3A_100 = arith.constant 40 : i32
      %dma_wait3A_101 = arith.constant 0 : i32
      %dma_wait3A_102 = tpu.memref_slice %dma_wait3A_99[%dma_wait3A_100, %dma_wait3A_101] : memref<80x128xi32, #tpu.memory_space<hbm>> -> memref<40x128xi32, #tpu.memory_space<hbm>>
      %dma_wait3A_103 = arith.constant 0 : i32
      %dma_wait3A_104 = arith.constant 0 : i32
      %dma_wait3A_105 = tpu.memref_slice %arg7[%dma_wait3A_103, %dma_wait3A_104] : memref<80x128xi32, #tpu.memory_space<vmem>> -> memref<40x128xi32, #tpu.memory_space<vmem>>
      %dma_wait3A_106 = arith.constant 0 : i32
      %dma_wait3A_107 = arith.constant 0 : i32
      %dma_wait3A_108 = tpu.memref_slice %arg3[%add3A, %dma_wait3A_106, %dma_wait3A_107] : memref<32x80x128xi32, #tpu.memory_space<hbm>> -> memref<1x80x128xi32, #tpu.memory_space<hbm>>
      %dma_wait3A_109 = tpu.memref_squeeze %dma_wait3A_108 : memref<1x80x128xi32, #tpu.memory_space<hbm>> -> memref<80x128xi32, #tpu.memory_space<hbm>>
      %dma_wait3A_110 = arith.constant 40 : i32
      %dma_wait3A_111 = arith.constant 0 : i32
      %dma_wait3A_112 = tpu.memref_slice %dma_wait3A_109[%dma_wait3A_110, %dma_wait3A_111] : memref<80x128xi32, #tpu.memory_space<hbm>> -> memref<40x128xi32, #tpu.memory_space<hbm>>
      tpu.wait_dma2 semaphore(%run_scoped3A_72 : memref<!tpu.dma_semaphore, #tpu.memory_space<semaphore_mem>>) src(%dma_wait3A_112 : memref<40x128xi32, #tpu.memory_space<hbm>>) dst(%dma_wait3A_105 : memref<40x128xi32, #tpu.memory_space<vmem>>)
      tpu.yield
    }) : () -> ()
    "tpu.region"() ({
      %run_scoped3A_72 = tpu.sem_alloc : memref<!tpu.dma_semaphore, #tpu.memory_space<semaphore_mem>>
      %dma_start3A_73 = arith.constant 40 : i32
      %dma_start3A_74 = arith.constant 0 : i32
      %dma_start3A_75 = tpu.memref_slice %arg7[%dma_start3A_73, %dma_start3A_74] : memref<80x128xi32, #tpu.memory_space<vmem>> -> memref<40x128xi32, #tpu.memory_space<vmem>>
      %dma_start3A_76 = arith.constant 0 : i32
      %dma_start3A_77 = arith.constant 0 : i32
      %dma_start3A_78 = tpu.memref_slice %arg4[%add3A, %dma_start3A_76, %dma_start3A_77] : memref<32x80x128xi32, #tpu.memory_space<hbm>> -> memref<1x80x128xi32, #tpu.memory_space<hbm>>
      %dma_start3A_79 = tpu.memref_squeeze %dma_start3A_78 : memref<1x80x128xi32, #tpu.memory_space<hbm>> -> memref<80x128xi32, #tpu.memory_space<hbm>>
      %dma_start3A_80 = arith.constant 40 : i32
      %dma_start3A_81 = arith.constant 0 : i32
      %dma_start3A_82 = tpu.memref_slice %dma_start3A_79[%dma_start3A_80, %dma_start3A_81] : memref<80x128xi32, #tpu.memory_space<hbm>> -> memref<40x128xi32, #tpu.memory_space<hbm>>
      %dma_start3A_83 = arith.constant 40 : i32
      %dma_start3A_84 = arith.constant 0 : i32
      %dma_start3A_85 = tpu.memref_slice %arg7[%dma_start3A_83, %dma_start3A_84] : memref<80x128xi32, #tpu.memory_space<vmem>> -> memref<40x128xi32, #tpu.memory_space<vmem>>
      %dma_start3A_86 = arith.constant 0 : i32
      %dma_start3A_87 = arith.constant 0 : i32
      %dma_start3A_88 = tpu.memref_slice %arg4[%add3A, %dma_start3A_86, %dma_start3A_87] : memref<32x80x128xi32, #tpu.memory_space<hbm>> -> memref<1x80x128xi32, #tpu.memory_space<hbm>>
      %dma_start3A_89 = tpu.memref_squeeze %dma_start3A_88 : memref<1x80x128xi32, #tpu.memory_space<hbm>> -> memref<80x128xi32, #tpu.memory_space<hbm>>
      %dma_start3A_90 = arith.constant 40 : i32
      %dma_start3A_91 = arith.constant 0 : i32
      %dma_start3A_92 = tpu.memref_slice %dma_start3A_89[%dma_start3A_90, %dma_start3A_91] : memref<80x128xi32, #tpu.memory_space<hbm>> -> memref<40x128xi32, #tpu.memory_space<hbm>>
      tpu.enqueue_dma source(%dma_start3A_92 : memref<40x128xi32, #tpu.memory_space<hbm>>) target(%dma_start3A_85 : memref<40x128xi32, #tpu.memory_space<vmem>>) target_semaphore(%run_scoped3A_72 : memref<!tpu.dma_semaphore, #tpu.memory_space<semaphore_mem>>)
      %dma_wait3A_93 = arith.constant 40 : i32
      %dma_wait3A_94 = arith.constant 0 : i32
      %dma_wait3A_95 = tpu.memref_slice %arg7[%dma_wait3A_93, %dma_wait3A_94] : memref<80x128xi32, #tpu.memory_space<vmem>> -> memref<40x128xi32, #tpu.memory_space<vmem>>
      %dma_wait3A_96 = arith.constant 0 : i32
      %dma_wait3A_97 = arith.constant 0 : i32
      %dma_wait3A_98 = tpu.memref_slice %arg4[%add3A, %dma_wait3A_96, %dma_wait3A_97] : memref<32x80x128xi32, #tpu.memory_space<hbm>> -> memref<1x80x128xi32, #tpu.memory_space<hbm>>
      %dma_wait3A_99 = tpu.memref_squeeze %dma_wait3A_98 : memref<1x80x128xi32, #tpu.memory_space<hbm>> -> memref<80x128xi32, #tpu.memory_space<hbm>>
      %dma_wait3A_100 = arith.constant 40 : i32
      %dma_wait3A_101 = arith.constant 0 : i32
      %dma_wait3A_102 = tpu.memref_slice %dma_wait3A_99[%dma_wait3A_100, %dma_wait3A_101] : memref<80x128xi32, #tpu.memory_space<hbm>> -> memref<40x128xi32, #tpu.memory_space<hbm>>
      %dma_wait3A_103 = arith.constant 40 : i32
      %dma_wait3A_104 = arith.constant 0 : i32
      %dma_wait3A_105 = tpu.memref_slice %arg7[%dma_wait3A_103, %dma_wait3A_104] : memref<80x128xi32, #tpu.memory_space<vmem>> -> memref<40x128xi32, #tpu.memory_space<vmem>>
      %dma_wait3A_106 = arith.constant 0 : i32
      %dma_wait3A_107 = arith.constant 0 : i32
      %dma_wait3A_108 = tpu.memref_slice %arg4[%add3A, %dma_wait3A_106, %dma_wait3A_107] : memref<32x80x128xi32, #tpu.memory_space<hbm>> -> memref<1x80x128xi32, #tpu.memory_space<hbm>>
      %dma_wait3A_109 = tpu.memref_squeeze %dma_wait3A_108 : memref<1x80x128xi32, #tpu.memory_space<hbm>> -> memref<80x128xi32, #tpu.memory_space<hbm>>
      %dma_wait3A_110 = arith.constant 40 : i32
      %dma_wait3A_111 = arith.constant 0 : i32
      %dma_wait3A_112 = tpu.memref_slice %dma_wait3A_109[%dma_wait3A_110, %dma_wait3A_111] : memref<80x128xi32, #tpu.memory_space<hbm>> -> memref<40x128xi32, #tpu.memory_space<hbm>>
      tpu.wait_dma2 semaphore(%run_scoped3A_72 : memref<!tpu.dma_semaphore, #tpu.memory_space<semaphore_mem>>) src(%dma_wait3A_112 : memref<40x128xi32, #tpu.memory_space<hbm>>) dst(%dma_wait3A_105 : memref<40x128xi32, #tpu.memory_space<vmem>>)
      tpu.yield
    }) : () -> ()
    %dma_start3A_34 = arith.constant 0 : i32
    %dma_start3A_35 = arith.constant 0 : i32
    %dma_start3A_36 = tpu.memref_slice %arg7[%dma_start3A_34, %dma_start3A_35] : memref<80x128xi32, #tpu.memory_space<vmem>> -> memref<1x128xi32, #tpu.memory_space<vmem>>
    %dma_start3A_37 = tpu.memref_squeeze %dma_start3A_36 : memref<1x128xi32, #tpu.memory_space<vmem>> -> memref<128xi32, #tpu.memory_space<vmem>>
    %dma_start3A_38 = arith.constant 0 : i32
    %dma_start3A_39 = arith.constant 0 : i32
    %dma_start3A_40 = tpu.memref_slice %arg2[%dma_start3A_38, %dma_start3A_39] : memref<10000x128xf32, #tpu.memory_space<hbm>> -> memref<10000x128xf32, #tpu.memory_space<hbm>>
    tpu.enqueue_indirect_dma source(%dma_start3A_40 : memref<10000x128xf32, #tpu.memory_space<hbm>>) target(%arg8 : memref<128x128xf32, #tpu.memory_space<vmem>>) offsets(%dma_start3A_37 : memref<128xi32, #tpu.memory_space<vmem>>) semaphore(%arg11 : memref<!tpu.dma_semaphore, #tpu.memory_space<semaphore_mem>>)
    %scan3A_41 = arith.constant 0 : i32
    %scan3A_42 = arith.constant 19 : i32
    %scan3A_43 = arith.addi %scan3A_41, %scan3A_42 : i32
    %scan3A_44 = arith.constant 1 : i32
    scf.for %scan3A_72 = %scan3A_41 to %scan3A_43 step %scan3A_44  : i32 {
      %mul3A_73 = arith.constant 1 : i32
      %mul3A_74 = arith.muli %scan3A_72, %mul3A_73 : i32
      %add3A_75 = arith.constant 0 : i32
      %add3A_76 = arith.addi %add3A_75, %mul3A_74 : i32
      %mul3A_77 = arith.constant 2 : i32
      %mul3A_78 = arith.muli %add3A_76, %mul3A_77 : i32
      %add3A_79 = arith.constant 1 : i32
      %add3A_80 = arith.addi %mul3A_78, %add3A_79 : i32
      %dma_start3A_81 = arith.constant 0 : i32
      %dma_start3A_82 = tpu.memref_slice %arg7[%add3A_80, %dma_start3A_81] : memref<80x128xi32, #tpu.memory_space<vmem>> -> memref<1x128xi32, #tpu.memory_space<vmem>>
      %dma_start3A_83 = tpu.memref_squeeze %dma_start3A_82 : memref<1x128xi32, #tpu.memory_space<vmem>> -> memref<128xi32, #tpu.memory_space<vmem>>
      %dma_start3A_84 = arith.constant 0 : i32
      %dma_start3A_85 = arith.constant 0 : i32
      %dma_start3A_86 = tpu.memref_slice %arg2[%dma_start3A_84, %dma_start3A_85] : memref<10000x128xf32, #tpu.memory_space<hbm>> -> memref<10000x128xf32, #tpu.memory_space<hbm>>
      tpu.enqueue_indirect_dma source(%dma_start3A_86 : memref<10000x128xf32, #tpu.memory_space<hbm>>) target(%arg9 : memref<128x128xf32, #tpu.memory_space<vmem>>) offsets(%dma_start3A_83 : memref<128xi32, #tpu.memory_space<vmem>>) semaphore(%arg12 : memref<!tpu.dma_semaphore, #tpu.memory_space<semaphore_mem>>)
      %dma_wait3A_87 = arith.constant 0 : i32
      %dma_wait3A_88 = arith.constant 0 : i32
      %dma_wait3A_89 = tpu.memref_slice %arg2[%dma_wait3A_87, %dma_wait3A_88] : memref<10000x128xf32, #tpu.memory_space<hbm>> -> memref<128x128xf32, #tpu.memory_space<hbm>>
      %dma_wait3A_90 = arith.constant 0 : i32
      %dma_wait3A_91 = arith.constant 0 : i32
      %dma_wait3A_92 = tpu.memref_slice %arg2[%dma_wait3A_90, %dma_wait3A_91] : memref<10000x128xf32, #tpu.memory_space<hbm>> -> memref<128x128xf32, #tpu.memory_space<hbm>>
      tpu.wait_dma2 semaphore(%arg11 : memref<!tpu.dma_semaphore, #tpu.memory_space<semaphore_mem>>) src(%dma_wait3A_92 : memref<128x128xf32, #tpu.memory_space<hbm>>) dst(%arg8 : memref<128x128xf32, #tpu.memory_space<vmem>>)
      %add3A_93 = arith.constant 40 : i32
      %add3A_94 = arith.addi %add3A_93, %mul3A_78 : i32
      "tpu.region"() ({
        %run_scoped3A_113 = tpu.sem_alloc : memref<!tpu.dma_semaphore, #tpu.memory_space<semaphore_mem>>
        %dma_start3A_114 = arith.constant 0 : i32
        %dma_start3A_115 = tpu.memref_slice %arg7[%add3A_94, %dma_start3A_114] : memref<80x128xi32, #tpu.memory_space<vmem>> -> memref<1x128xi32, #tpu.memory_space<vmem>>
        %dma_start3A_116 = tpu.memref_squeeze %dma_start3A_115 : memref<1x128xi32, #tpu.memory_space<vmem>> -> memref<128xi32, #tpu.memory_space<vmem>>
        %dma_start3A_117 = arith.constant 0 : i32
        %dma_start3A_118 = arith.constant 0 : i32
        %dma_start3A_119 = tpu.memref_slice %arg10[%dma_start3A_117, %dma_start3A_118] : memref<10112x128xf32, #tpu.memory_space<vmem_shared>> -> memref<10112x128xf32, #tpu.memory_space<vmem_shared>>
        tpu.enqueue_indirect_dma source(%arg8 : memref<128x128xf32, #tpu.memory_space<vmem>>) target(%dma_start3A_119 : memref<10112x128xf32, #tpu.memory_space<vmem_shared>>) offsets(%dma_start3A_116 : memref<128xi32, #tpu.memory_space<vmem>>) semaphore(%run_scoped3A_113 : memref<!tpu.dma_semaphore, #tpu.memory_space<semaphore_mem>>) {add = true}
        %dma_wait3A_120 = arith.constant 0 : i32
        %dma_wait3A_121 = tpu.memref_slice %arg7[%add3A_94, %dma_wait3A_120] : memref<80x128xi32, #tpu.memory_space<vmem>> -> memref<1x128xi32, #tpu.memory_space<vmem>>
        %dma_wait3A_122 = tpu.memref_squeeze %dma_wait3A_121 : memref<1x128xi32, #tpu.memory_space<vmem>> -> memref<128xi32, #tpu.memory_space<vmem>>
        %dma_wait3A_123 = arith.constant 0 : i32
        %dma_wait3A_124 = arith.constant 0 : i32
        %dma_wait3A_125 = tpu.memref_slice %arg10[%dma_wait3A_123, %dma_wait3A_124] : memref<10112x128xf32, #tpu.memory_space<vmem_shared>> -> memref<10112x128xf32, #tpu.memory_space<vmem_shared>>
        tpu.wait_indirect_dma semaphore(%run_scoped3A_113 : memref<!tpu.dma_semaphore, #tpu.memory_space<semaphore_mem>>) src(%arg8 : memref<128x128xf32, #tpu.memory_space<vmem>>) dst(%dma_wait3A_125 : memref<10112x128xf32, #tpu.memory_space<vmem_shared>>)
        tpu.yield
      }) : () -> ()
      %add3A_95 = arith.constant 2 : i32
      %add3A_96 = arith.addi %mul3A_78, %add3A_95 : i32
      %dma_start3A_97 = arith.constant 0 : i32
      %dma_start3A_98 = tpu.memref_slice %arg7[%add3A_96, %dma_start3A_97] : memref<80x128xi32, #tpu.memory_space<vmem>> -> memref<1x128xi32, #tpu.memory_space<vmem>>
      %dma_start3A_99 = tpu.memref_squeeze %dma_start3A_98 : memref<1x128xi32, #tpu.memory_space<vmem>> -> memref<128xi32, #tpu.memory_space<vmem>>
      %dma_start3A_100 = arith.constant 0 : i32
      %dma_start3A_101 = arith.constant 0 : i32
      %dma_start3A_102 = tpu.memref_slice %arg2[%dma_start3A_100, %dma_start3A_101] : memref<10000x128xf32, #tpu.memory_space<hbm>> -> memref<10000x128xf32, #tpu.memory_space<hbm>>
      tpu.enqueue_indirect_dma source(%dma_start3A_102 : memref<10000x128xf32, #tpu.memory_space<hbm>>) target(%arg8 : memref<128x128xf32, #tpu.memory_space<vmem>>) offsets(%dma_start3A_99 : memref<128xi32, #tpu.memory_space<vmem>>) semaphore(%arg11 : memref<!tpu.dma_semaphore, #tpu.memory_space<semaphore_mem>>)
      %dma_wait3A_103 = arith.constant 0 : i32
      %dma_wait3A_104 = arith.constant 0 : i32
      %dma_wait3A_105 = tpu.memref_slice %arg2[%dma_wait3A_103, %dma_wait3A_104] : memref<10000x128xf32, #tpu.memory_space<hbm>> -> memref<128x128xf32, #tpu.memory_space<hbm>>
      %dma_wait3A_106 = arith.constant 0 : i32
      %dma_wait3A_107 = arith.constant 0 : i32
      %dma_wait3A_108 = tpu.memref_slice %arg2[%dma_wait3A_106, %dma_wait3A_107] : memref<10000x128xf32, #tpu.memory_space<hbm>> -> memref<128x128xf32, #tpu.memory_space<hbm>>
      tpu.wait_dma2 semaphore(%arg12 : memref<!tpu.dma_semaphore, #tpu.memory_space<semaphore_mem>>) src(%dma_wait3A_108 : memref<128x128xf32, #tpu.memory_space<hbm>>) dst(%arg9 : memref<128x128xf32, #tpu.memory_space<vmem>>)
      %add3A_109 = arith.constant 40 : i32
      %add3A_110 = arith.addi %add3A_109, %mul3A_78 : i32
      %add3A_111 = arith.constant 1 : i32
      %add3A_112 = arith.addi %add3A_110, %add3A_111 : i32
      "tpu.region"() ({
        %run_scoped3A_113 = tpu.sem_alloc : memref<!tpu.dma_semaphore, #tpu.memory_space<semaphore_mem>>
        %dma_start3A_114 = arith.constant 0 : i32
        %dma_start3A_115 = tpu.memref_slice %arg7[%add3A_112, %dma_start3A_114] : memref<80x128xi32, #tpu.memory_space<vmem>> -> memref<1x128xi32, #tpu.memory_space<vmem>>
        %dma_start3A_116 = tpu.memref_squeeze %dma_start3A_115 : memref<1x128xi32, #tpu.memory_space<vmem>> -> memref<128xi32, #tpu.memory_space<vmem>>
        %dma_start3A_117 = arith.constant 0 : i32
        %dma_start3A_118 = arith.constant 0 : i32
        %dma_start3A_119 = tpu.memref_slice %arg10[%dma_start3A_117, %dma_start3A_118] : memref<10112x128xf32, #tpu.memory_space<vmem_shared>> -> memref<10112x128xf32, #tpu.memory_space<vmem_shared>>
        tpu.enqueue_indirect_dma source(%arg9 : memref<128x128xf32, #tpu.memory_space<vmem>>) target(%dma_start3A_119 : memref<10112x128xf32, #tpu.memory_space<vmem_shared>>) offsets(%dma_start3A_116 : memref<128xi32, #tpu.memory_space<vmem>>) semaphore(%run_scoped3A_113 : memref<!tpu.dma_semaphore, #tpu.memory_space<semaphore_mem>>) {add = true}
        %dma_wait3A_120 = arith.constant 0 : i32
        %dma_wait3A_121 = tpu.memref_slice %arg7[%add3A_112, %dma_wait3A_120] : memref<80x128xi32, #tpu.memory_space<vmem>> -> memref<1x128xi32, #tpu.memory_space<vmem>>
        %dma_wait3A_122 = tpu.memref_squeeze %dma_wait3A_121 : memref<1x128xi32, #tpu.memory_space<vmem>> -> memref<128xi32, #tpu.memory_space<vmem>>
        %dma_wait3A_123 = arith.constant 0 : i32
        %dma_wait3A_124 = arith.constant 0 : i32
        %dma_wait3A_125 = tpu.memref_slice %arg10[%dma_wait3A_123, %dma_wait3A_124] : memref<10112x128xf32, #tpu.memory_space<vmem_shared>> -> memref<10112x128xf32, #tpu.memory_space<vmem_shared>>
        tpu.wait_indirect_dma semaphore(%run_scoped3A_113 : memref<!tpu.dma_semaphore, #tpu.memory_space<semaphore_mem>>) src(%arg9 : memref<128x128xf32, #tpu.memory_space<vmem>>) dst(%dma_wait3A_125 : memref<10112x128xf32, #tpu.memory_space<vmem_shared>>)
        tpu.yield
      }) : () -> ()
    }
    %scan3A_45 = arith.constant 19 : i32
    %dma_start3A_46 = arith.constant 39 : i32
    %dma_start3A_47 = arith.constant 0 : i32
    %dma_start3A_48 = tpu.memref_slice %arg7[%dma_start3A_46, %dma_start3A_47] : memref<80x128xi32, #tpu.memory_space<vmem>> -> memref<1x128xi32, #tpu.memory_space<vmem>>
    %dma_start3A_49 = tpu.memref_squeeze %dma_start3A_48 : memref<1x128xi32, #tpu.memory_space<vmem>> -> memref<128xi32, #tpu.memory_space<vmem>>
    %dma_start3A_50 = arith.constant 0 : i32
    %dma_start3A_51 = arith.constant 0 : i32
    %dma_start3A_52 = tpu.memref_slice %arg2[%dma_start3A_50, %dma_start3A_51] : memref<10000x128xf32, #tpu.memory_space<hbm>> -> memref<10000x128xf32, #tpu.memory_space<hbm>>
    tpu.enqueue_indirect_dma source(%dma_start3A_52 : memref<10000x128xf32, #tpu.memory_space<hbm>>) target(%arg9 : memref<128x128xf32, #tpu.memory_space<vmem>>) offsets(%dma_start3A_49 : memref<128xi32, #tpu.memory_space<vmem>>) semaphore(%arg12 : memref<!tpu.dma_semaphore, #tpu.memory_space<semaphore_mem>>)
    %dma_wait3A_53 = arith.constant 0 : i32
    %dma_wait3A_54 = arith.constant 0 : i32
    %dma_wait3A_55 = tpu.memref_slice %arg2[%dma_wait3A_53, %dma_wait3A_54] : memref<10000x128xf32, #tpu.memory_space<hbm>> -> memref<128x128xf32, #tpu.memory_space<hbm>>
    %dma_wait3A_56 = arith.constant 0 : i32
    %dma_wait3A_57 = arith.constant 0 : i32
    %dma_wait3A_58 = tpu.memref_slice %arg2[%dma_wait3A_56, %dma_wait3A_57] : memref<10000x128xf32, #tpu.memory_space<hbm>> -> memref<128x128xf32, #tpu.memory_space<hbm>>
    tpu.wait_dma2 semaphore(%arg11 : memref<!tpu.dma_semaphore, #tpu.memory_space<semaphore_mem>>) src(%dma_wait3A_58 : memref<128x128xf32, #tpu.memory_space<hbm>>) dst(%arg8 : memref<128x128xf32, #tpu.memory_space<vmem>>)
    %run_scoped3A_59 = arith.constant 78 : i32
    "tpu.region"() ({
      %run_scoped3A_72 = tpu.sem_alloc : memref<!tpu.dma_semaphore, #tpu.memory_space<semaphore_mem>>
      %dma_start3A_73 = arith.constant 0 : i32
      %dma_start3A_74 = tpu.memref_slice %arg7[%run_scoped3A_59, %dma_start3A_73] : memref<80x128xi32, #tpu.memory_space<vmem>> -> memref<1x128xi32, #tpu.memory_space<vmem>>
      %dma_start3A_75 = tpu.memref_squeeze %dma_start3A_74 : memref<1x128xi32, #tpu.memory_space<vmem>> -> memref<128xi32, #tpu.memory_space<vmem>>
      %dma_start3A_76 = arith.constant 0 : i32
      %dma_start3A_77 = arith.constant 0 : i32
      %dma_start3A_78 = tpu.memref_slice %arg10[%dma_start3A_76, %dma_start3A_77] : memref<10112x128xf32, #tpu.memory_space<vmem_shared>> -> memref<10112x128xf32, #tpu.memory_space<vmem_shared>>
      tpu.enqueue_indirect_dma source(%arg8 : memref<128x128xf32, #tpu.memory_space<vmem>>) target(%dma_start3A_78 : memref<10112x128xf32, #tpu.memory_space<vmem_shared>>) offsets(%dma_start3A_75 : memref<128xi32, #tpu.memory_space<vmem>>) semaphore(%run_scoped3A_72 : memref<!tpu.dma_semaphore, #tpu.memory_space<semaphore_mem>>) {add = true}
      %dma_wait3A_79 = arith.constant 0 : i32
      %dma_wait3A_80 = tpu.memref_slice %arg7[%run_scoped3A_59, %dma_wait3A_79] : memref<80x128xi32, #tpu.memory_space<vmem>> -> memref<1x128xi32, #tpu.memory_space<vmem>>
      %dma_wait3A_81 = tpu.memref_squeeze %dma_wait3A_80 : memref<1x128xi32, #tpu.memory_space<vmem>> -> memref<128xi32, #tpu.memory_space<vmem>>
      %dma_wait3A_82 = arith.constant 0 : i32
      %dma_wait3A_83 = arith.constant 0 : i32
      %dma_wait3A_84 = tpu.memref_slice %arg10[%dma_wait3A_82, %dma_wait3A_83] : memref<10112x128xf32, #tpu.memory_space<vmem_shared>> -> memref<10112x128xf32, #tpu.memory_space<vmem_shared>>
      tpu.wait_indirect_dma semaphore(%run_scoped3A_72 : memref<!tpu.dma_semaphore, #tpu.memory_space<semaphore_mem>>) src(%arg8 : memref<128x128xf32, #tpu.memory_space<vmem>>) dst(%dma_wait3A_84 : memref<10112x128xf32, #tpu.memory_space<vmem_shared>>)
      tpu.yield
    }) : () -> ()
    %dma_wait3A_60 = arith.constant 0 : i32
    %dma_wait3A_61 = arith.constant 0 : i32
    %dma_wait3A_62 = tpu.memref_slice %arg2[%dma_wait3A_60, %dma_wait3A_61] : memref<10000x128xf32, #tpu.memory_space<hbm>> -> memref<128x128xf32, #tpu.memory_space<hbm>>
    %dma_wait3A_63 = arith.constant 0 : i32
    %dma_wait3A_64 = arith.constant 0 : i32
    %dma_wait3A_65 = tpu.memref_slice %arg2[%dma_wait3A_63, %dma_wait3A_64] : memref<10000x128xf32, #tpu.memory_space<hbm>> -> memref<128x128xf32, #tpu.memory_space<hbm>>
    tpu.wait_dma2 semaphore(%arg12 : memref<!tpu.dma_semaphore, #tpu.memory_space<semaphore_mem>>) src(%dma_wait3A_65 : memref<128x128xf32, #tpu.memory_space<hbm>>) dst(%arg9 : memref<128x128xf32, #tpu.memory_space<vmem>>)
    %run_scoped3A_66 = arith.constant 79 : i32
    "tpu.region"() ({
      %run_scoped3A_72 = tpu.sem_alloc : memref<!tpu.dma_semaphore, #tpu.memory_space<semaphore_mem>>
      %dma_start3A_73 = arith.constant 0 : i32
      %dma_start3A_74 = tpu.memref_slice %arg7[%run_scoped3A_66, %dma_start3A_73] : memref<80x128xi32, #tpu.memory_space<vmem>> -> memref<1x128xi32, #tpu.memory_space<vmem>>
      %dma_start3A_75 = tpu.memref_squeeze %dma_start3A_74 : memref<1x128xi32, #tpu.memory_space<vmem>> -> memref<128xi32, #tpu.memory_space<vmem>>
      %dma_start3A_76 = arith.constant 0 : i32
      %dma_start3A_77 = arith.constant 0 : i32
      %dma_start3A_78 = tpu.memref_slice %arg10[%dma_start3A_76, %dma_start3A_77] : memref<10112x128xf32, #tpu.memory_space<vmem_shared>> -> memref<10112x128xf32, #tpu.memory_space<vmem_shared>>
      tpu.enqueue_indirect_dma source(%arg9 : memref<128x128xf32, #tpu.memory_space<vmem>>) target(%dma_start3A_78 : memref<10112x128xf32, #tpu.memory_space<vmem_shared>>) offsets(%dma_start3A_75 : memref<128xi32, #tpu.memory_space<vmem>>) semaphore(%run_scoped3A_72 : memref<!tpu.dma_semaphore, #tpu.memory_space<semaphore_mem>>) {add = true}
      %dma_wait3A_79 = arith.constant 0 : i32
      %dma_wait3A_80 = tpu.memref_slice %arg7[%run_scoped3A_66, %dma_wait3A_79] : memref<80x128xi32, #tpu.memory_space<vmem>> -> memref<1x128xi32, #tpu.memory_space<vmem>>
      %dma_wait3A_81 = tpu.memref_squeeze %dma_wait3A_80 : memref<1x128xi32, #tpu.memory_space<vmem>> -> memref<128xi32, #tpu.memory_space<vmem>>
      %dma_wait3A_82 = arith.constant 0 : i32
      %dma_wait3A_83 = arith.constant 0 : i32
      %dma_wait3A_84 = tpu.memref_slice %arg10[%dma_wait3A_82, %dma_wait3A_83] : memref<10112x128xf32, #tpu.memory_space<vmem_shared>> -> memref<10112x128xf32, #tpu.memory_space<vmem_shared>>
      tpu.wait_indirect_dma semaphore(%run_scoped3A_72 : memref<!tpu.dma_semaphore, #tpu.memory_space<semaphore_mem>>) src(%arg9 : memref<128x128xf32, #tpu.memory_space<vmem>>) dst(%dma_wait3A_84 : memref<10112x128xf32, #tpu.memory_space<vmem_shared>>)
      tpu.yield
    }) : () -> ()
    %barrier3A_67 = arith.constant 0 : index
    tpu.barrier barrier_id(%barrier3A_67)
    %mul3A_68 = arith.constant 632 : i32
    %mul3A_69 = arith.muli %arg1, %mul3A_68 : i32
    %mul3A_70 = arith.constant 632 : i32
    %mul3A_71 = arith.muli %arg1, %mul3A_70 : i32
    "tpu.region"() ({
      %run_scoped3A_72 = tpu.sem_alloc : memref<!tpu.dma_semaphore, #tpu.memory_space<semaphore_mem>>
      %dma_start3A_73 = arith.constant 0 : i32
      %dma_start3A_74 = arith.constant 0 : i32
      %dma_start3A_75 = tpu.memref_slice %arg6[%arg0, %dma_start3A_73, %dma_start3A_74] : memref<2x10112x128xf32, #tpu.memory_space<hbm>> -> memref<1x10112x128xf32, #tpu.memory_space<hbm>>
      %dma_start3A_76 = tpu.memref_squeeze %dma_start3A_75 : memref<1x10112x128xf32, #tpu.memory_space<hbm>> -> memref<10112x128xf32, #tpu.memory_space<hbm>>
      %dma_start3A_77 = arith.constant 0 : i32
      %dma_start3A_78 = tpu.memref_slice %dma_start3A_76[%mul3A_71, %dma_start3A_77] : memref<10112x128xf32, #tpu.memory_space<hbm>> -> memref<632x128xf32, #tpu.memory_space<hbm>>
      %dma_start3A_79 = arith.constant 0 : i32
      %dma_start3A_80 = tpu.memref_slice %arg10[%mul3A_69, %dma_start3A_79] : memref<10112x128xf32, #tpu.memory_space<vmem_shared>> -> memref<632x128xf32, #tpu.memory_space<vmem_shared>>
      tpu.enqueue_dma source(%dma_start3A_80 : memref<632x128xf32, #tpu.memory_space<vmem_shared>>) target(%dma_start3A_78 : memref<632x128xf32, #tpu.memory_space<hbm>>) target_semaphore(%run_scoped3A_72 : memref<!tpu.dma_semaphore, #tpu.memory_space<semaphore_mem>>)
      %dma_wait3A_81 = arith.constant 0 : i32
      %dma_wait3A_82 = arith.constant 0 : i32
      %dma_wait3A_83 = tpu.memref_slice %arg6[%arg0, %dma_wait3A_81, %dma_wait3A_82] : memref<2x10112x128xf32, #tpu.memory_space<hbm>> -> memref<1x10112x128xf32, #tpu.memory_space<hbm>>
      %dma_wait3A_84 = tpu.memref_squeeze %dma_wait3A_83 : memref<1x10112x128xf32, #tpu.memory_space<hbm>> -> memref<10112x128xf32, #tpu.memory_space<hbm>>
      %dma_wait3A_85 = arith.constant 0 : i32
      %dma_wait3A_86 = tpu.memref_slice %dma_wait3A_84[%mul3A_71, %dma_wait3A_85] : memref<10112x128xf32, #tpu.memory_space<hbm>> -> memref<632x128xf32, #tpu.memory_space<hbm>>
      %dma_wait3A_87 = arith.constant 0 : i32
      %dma_wait3A_88 = tpu.memref_slice %arg10[%mul3A_69, %dma_wait3A_87] : memref<10112x128xf32, #tpu.memory_space<vmem_shared>> -> memref<632x128xf32, #tpu.memory_space<vmem_shared>>
      tpu.wait_dma2 semaphore(%run_scoped3A_72 : memref<!tpu.dma_semaphore, #tpu.memory_space<semaphore_mem>>) src(%dma_wait3A_88 : memref<632x128xf32, #tpu.memory_space<vmem_shared>>) dst(%dma_wait3A_86 : memref<632x128xf32, #tpu.memory_space<hbm>>)
      tpu.yield
    }) : () -> ()
    return
  }
}

module attributes {stable_mosaic.version = 14 : i64} {
  func.func @_bmm_body(%arg0: i32, %arg1: memref<200x128xf32, #tpu.memory_space<vmem>>, %arg2: memref<200x128x128xf32, #tpu.memory_space<vmem>>, %arg3: memref<1x128xf32, #tpu.memory_space<vmem>>, %arg4: memref<200x128xf32, #tpu.memory_space<vmem>>) attributes {dimension_semantics = [#tpu.dimension_semantics<arbitrary>], iteration_bounds = array<i64: 50>, scalar_prefetch = 0 : i64, scratch_operands = 0 : i64, tpu.core_type = #tpu.core_type<tc>, window_params = [{transform_indices = @transform_0, window_bounds = array<i64: 200, 128>}, {transform_indices = @transform_1, window_bounds = array<i64: 200, 128, 128>}, {pipeline_mode = #tpu.pipeline_mode<synchronous>, transform_indices = @transform_2, window_bounds = array<i64: 1, 128>}, {transform_indices = @transform_3, window_bounds = array<i64: 200, 128>}]} {
    %get3A = arith.constant 0 : index
    %get3A_0 = arith.constant 0 : index
    %get3A_1 = vector.load %arg1[%get3A, %get3A_0] : memref<200x128xf32, #tpu.memory_space<vmem>>, vector<8x128xf32>
    %get3A_2 = arith.constant 0 : index
    %get3A_3 = arith.constant 0 : index
    %get3A_4 = arith.constant 0 : index
    %get3A_5 = vector.load %arg2[%get3A_2, %get3A_3, %get3A_4] : memref<200x128x128xf32, #tpu.memory_space<vmem>>, vector<8x128x128xf32>
    %reshape3A = vector.shape_cast %get3A_5 : vector<8x128x128xf32> to vector<1024x128xf32>
    %concatenate3A = tpu.concatenate %get3A_1, %get3A_1, %get3A_1, %get3A_1, %get3A_1, %get3A_1, %get3A_1, %get3A_1 in 1 : vector<8x128xf32>, vector<8x128xf32>, vector<8x128xf32>, vector<8x128xf32>, vector<8x128xf32>, vector<8x128xf32>, vector<8x128xf32>, vector<8x128xf32> -> vector<8x1024xf32>
    %iota3A = tpu.iota {dimensions = array<i32: 1>} : vector<8x1024xi32>
    %jit3A = arith.constant 128 : i32
    %div3A = vector.broadcast %jit3A : i32 to vector<8x1024xi32>
    %div3A_6 = arith.divsi %iota3A, %div3A : vector<8x1024xi32>
    %sign3A = arith.constant 0 : i32
    %sign3A_7 = vector.broadcast %sign3A : i32 to vector<8x1024xi32>
    %sign3A_8 = arith.cmpi sgt, %iota3A, %sign3A_7 : vector<8x1024xi32>
    %sign3A_9 = arith.extui %sign3A_8 : vector<8x1024xi1> to vector<8x1024xi32>
    %sign3A_10 = arith.constant 0 : i32
    %sign3A_11 = vector.broadcast %sign3A_10 : i32 to vector<8x1024xi32>
    %sign3A_12 = arith.cmpi slt, %iota3A, %sign3A_11 : vector<8x1024xi32>
    %sign3A_13 = arith.extui %sign3A_12 : vector<8x1024xi1> to vector<8x1024xi32>
    %sign3A_14 = arith.subi %sign3A_9, %sign3A_13 : vector<8x1024xi32>
    %sign3A_15 = arith.constant 0 : i32
    %sign3A_16 = arith.cmpi sgt, %jit3A, %sign3A_15 : i32
    %sign3A_17 = arith.extui %sign3A_16 : i1 to i32
    %sign3A_18 = arith.constant 0 : i32
    %sign3A_19 = arith.cmpi slt, %jit3A, %sign3A_18 : i32
    %sign3A_20 = arith.extui %sign3A_19 : i1 to i32
    %sign3A_21 = arith.subi %sign3A_17, %sign3A_20 : i32
    %ne3A = vector.broadcast %sign3A_21 : i32 to vector<8x1024xi32>
    %ne3A_22 = arith.cmpi ne, %sign3A_14, %ne3A : vector<8x1024xi32>
    %rem3A = vector.broadcast %jit3A : i32 to vector<8x1024xi32>
    %rem3A_23 = arith.remsi %iota3A, %rem3A : vector<8x1024xi32>
    %ne3A_24 = arith.constant 0 : i32
    %ne3A_25 = vector.broadcast %ne3A_24 : i32 to vector<8x1024xi32>
    %ne3A_26 = arith.cmpi ne, %rem3A_23, %ne3A_25 : vector<8x1024xi32>
    %and3A = arith.andi %ne3A_22, %ne3A_26 : vector<8x1024xi1>
    %sub3A = arith.constant 1 : i32
    %sub3A_27 = vector.broadcast %sub3A : i32 to vector<8x1024xi32>
    %sub3A_28 = arith.subi %div3A_6, %sub3A_27 : vector<8x1024xi32>
    %select_n3A = arith.select %and3A, %sub3A_28, %div3A_6 : vector<8x1024xi1>, vector<8x1024xi32>
    %iota3A_29 = tpu.iota {dimensions = array<i32: 0>} : vector<8x1024xi32>
    %eq3A = arith.cmpi eq, %select_n3A, %iota3A_29 : vector<8x1024xi32>
    %jit3A_30 = arith.constant 0.000000e+00 : f32
    %broadcast_in_dim3A = vector.broadcast %jit3A_30 : f32 to vector<8x1024xf32>
    %select_n3A_31 = arith.select %eq3A, %concatenate3A, %broadcast_in_dim3A : vector<8x1024xi1>, vector<8x1024xf32>
    %dot_general3A = arith.constant dense<0.000000e+00> : vector<8x128xf32>
    %dot_general3A_32 = tpu.matmul %select_n3A_31, %reshape3A, %dot_general3A {dimension_numbers = #tpu.dot_dimension_numbers<[1], [0], [0], [1], [0, 0, 1, 1], [], []>, transpose_lhs_hint = false} : vector<8x1024xf32>, vector<1024x128xf32>, vector<8x128xf32> -> vector<8x128xf32>
    %get3A_33 = arith.constant 8 : index
    %get3A_34 = arith.constant 0 : index
    %get3A_35 = vector.load %arg1[%get3A_33, %get3A_34] : memref<200x128xf32, #tpu.memory_space<vmem>>, vector<8x128xf32>
    %get3A_36 = arith.constant 8 : index
    %get3A_37 = arith.constant 0 : index
    %get3A_38 = arith.constant 0 : index
    %get3A_39 = vector.load %arg2[%get3A_36, %get3A_37, %get3A_38] : memref<200x128x128xf32, #tpu.memory_space<vmem>>, vector<8x128x128xf32>
    %reshape3A_40 = vector.shape_cast %get3A_39 : vector<8x128x128xf32> to vector<1024x128xf32>
    %concatenate3A_41 = tpu.concatenate %get3A_35, %get3A_35, %get3A_35, %get3A_35, %get3A_35, %get3A_35, %get3A_35, %get3A_35 in 1 : vector<8x128xf32>, vector<8x128xf32>, vector<8x128xf32>, vector<8x128xf32>, vector<8x128xf32>, vector<8x128xf32>, vector<8x128xf32>, vector<8x128xf32> -> vector<8x1024xf32>
    %iota3A_42 = tpu.iota {dimensions = array<i32: 1>} : vector<8x1024xi32>
    %jit3A_43 = arith.constant 128 : i32
    %div3A_44 = vector.broadcast %jit3A_43 : i32 to vector<8x1024xi32>
    %div3A_45 = arith.divsi %iota3A_42, %div3A_44 : vector<8x1024xi32>
    %sign3A_46 = arith.constant 0 : i32
    %sign3A_47 = vector.broadcast %sign3A_46 : i32 to vector<8x1024xi32>
    %sign3A_48 = arith.cmpi sgt, %iota3A_42, %sign3A_47 : vector<8x1024xi32>
    %sign3A_49 = arith.extui %sign3A_48 : vector<8x1024xi1> to vector<8x1024xi32>
    %sign3A_50 = arith.constant 0 : i32
    %sign3A_51 = vector.broadcast %sign3A_50 : i32 to vector<8x1024xi32>
    %sign3A_52 = arith.cmpi slt, %iota3A_42, %sign3A_51 : vector<8x1024xi32>
    %sign3A_53 = arith.extui %sign3A_52 : vector<8x1024xi1> to vector<8x1024xi32>
    %sign3A_54 = arith.subi %sign3A_49, %sign3A_53 : vector<8x1024xi32>
    %sign3A_55 = arith.constant 0 : i32
    %sign3A_56 = arith.cmpi sgt, %jit3A_43, %sign3A_55 : i32
    %sign3A_57 = arith.extui %sign3A_56 : i1 to i32
    %sign3A_58 = arith.constant 0 : i32
    %sign3A_59 = arith.cmpi slt, %jit3A_43, %sign3A_58 : i32
    %sign3A_60 = arith.extui %sign3A_59 : i1 to i32
    %sign3A_61 = arith.subi %sign3A_57, %sign3A_60 : i32
    %ne3A_62 = vector.broadcast %sign3A_61 : i32 to vector<8x1024xi32>
    %ne3A_63 = arith.cmpi ne, %sign3A_54, %ne3A_62 : vector<8x1024xi32>
    %rem3A_64 = vector.broadcast %jit3A_43 : i32 to vector<8x1024xi32>
    %rem3A_65 = arith.remsi %iota3A_42, %rem3A_64 : vector<8x1024xi32>
    %ne3A_66 = arith.constant 0 : i32
    %ne3A_67 = vector.broadcast %ne3A_66 : i32 to vector<8x1024xi32>
    %ne3A_68 = arith.cmpi ne, %rem3A_65, %ne3A_67 : vector<8x1024xi32>
    %and3A_69 = arith.andi %ne3A_63, %ne3A_68 : vector<8x1024xi1>
    %sub3A_70 = arith.constant 1 : i32
    %sub3A_71 = vector.broadcast %sub3A_70 : i32 to vector<8x1024xi32>
    %sub3A_72 = arith.subi %div3A_45, %sub3A_71 : vector<8x1024xi32>
    %select_n3A_73 = arith.select %and3A_69, %sub3A_72, %div3A_45 : vector<8x1024xi1>, vector<8x1024xi32>
    %iota3A_74 = tpu.iota {dimensions = array<i32: 0>} : vector<8x1024xi32>
    %eq3A_75 = arith.cmpi eq, %select_n3A_73, %iota3A_74 : vector<8x1024xi32>
    %jit3A_76 = arith.constant 0.000000e+00 : f32
    %broadcast_in_dim3A_77 = vector.broadcast %jit3A_76 : f32 to vector<8x1024xf32>
    %select_n3A_78 = arith.select %eq3A_75, %concatenate3A_41, %broadcast_in_dim3A_77 : vector<8x1024xi1>, vector<8x1024xf32>
    %dot_general3A_79 = arith.constant dense<0.000000e+00> : vector<8x128xf32>
    %dot_general3A_80 = tpu.matmul %select_n3A_78, %reshape3A_40, %dot_general3A_79 {dimension_numbers = #tpu.dot_dimension_numbers<[1], [0], [0], [1], [0, 0, 1, 1], [], []>, transpose_lhs_hint = false} : vector<8x1024xf32>, vector<1024x128xf32>, vector<8x128xf32> -> vector<8x128xf32>
    %get3A_81 = arith.constant 16 : index
    %get3A_82 = arith.constant 0 : index
    %get3A_83 = vector.load %arg1[%get3A_81, %get3A_82] : memref<200x128xf32, #tpu.memory_space<vmem>>, vector<8x128xf32>
    %get3A_84 = arith.constant 16 : index
    %get3A_85 = arith.constant 0 : index
    %get3A_86 = arith.constant 0 : index
    %get3A_87 = vector.load %arg2[%get3A_84, %get3A_85, %get3A_86] : memref<200x128x128xf32, #tpu.memory_space<vmem>>, vector<8x128x128xf32>
    %reshape3A_88 = vector.shape_cast %get3A_87 : vector<8x128x128xf32> to vector<1024x128xf32>
    %concatenate3A_89 = tpu.concatenate %get3A_83, %get3A_83, %get3A_83, %get3A_83, %get3A_83, %get3A_83, %get3A_83, %get3A_83 in 1 : vector<8x128xf32>, vector<8x128xf32>, vector<8x128xf32>, vector<8x128xf32>, vector<8x128xf32>, vector<8x128xf32>, vector<8x128xf32>, vector<8x128xf32> -> vector<8x1024xf32>
    %iota3A_90 = tpu.iota {dimensions = array<i32: 1>} : vector<8x1024xi32>
    %jit3A_91 = arith.constant 128 : i32
    %div3A_92 = vector.broadcast %jit3A_91 : i32 to vector<8x1024xi32>
    %div3A_93 = arith.divsi %iota3A_90, %div3A_92 : vector<8x1024xi32>
    %sign3A_94 = arith.constant 0 : i32
    %sign3A_95 = vector.broadcast %sign3A_94 : i32 to vector<8x1024xi32>
    %sign3A_96 = arith.cmpi sgt, %iota3A_90, %sign3A_95 : vector<8x1024xi32>
    %sign3A_97 = arith.extui %sign3A_96 : vector<8x1024xi1> to vector<8x1024xi32>
    %sign3A_98 = arith.constant 0 : i32
    %sign3A_99 = vector.broadcast %sign3A_98 : i32 to vector<8x1024xi32>
    %sign3A_100 = arith.cmpi slt, %iota3A_90, %sign3A_99 : vector<8x1024xi32>
    %sign3A_101 = arith.extui %sign3A_100 : vector<8x1024xi1> to vector<8x1024xi32>
    %sign3A_102 = arith.subi %sign3A_97, %sign3A_101 : vector<8x1024xi32>
    %sign3A_103 = arith.constant 0 : i32
    %sign3A_104 = arith.cmpi sgt, %jit3A_91, %sign3A_103 : i32
    %sign3A_105 = arith.extui %sign3A_104 : i1 to i32
    %sign3A_106 = arith.constant 0 : i32
    %sign3A_107 = arith.cmpi slt, %jit3A_91, %sign3A_106 : i32
    %sign3A_108 = arith.extui %sign3A_107 : i1 to i32
    %sign3A_109 = arith.subi %sign3A_105, %sign3A_108 : i32
    %ne3A_110 = vector.broadcast %sign3A_109 : i32 to vector<8x1024xi32>
    %ne3A_111 = arith.cmpi ne, %sign3A_102, %ne3A_110 : vector<8x1024xi32>
    %rem3A_112 = vector.broadcast %jit3A_91 : i32 to vector<8x1024xi32>
    %rem3A_113 = arith.remsi %iota3A_90, %rem3A_112 : vector<8x1024xi32>
    %ne3A_114 = arith.constant 0 : i32
    %ne3A_115 = vector.broadcast %ne3A_114 : i32 to vector<8x1024xi32>
    %ne3A_116 = arith.cmpi ne, %rem3A_113, %ne3A_115 : vector<8x1024xi32>
    %and3A_117 = arith.andi %ne3A_111, %ne3A_116 : vector<8x1024xi1>
    %sub3A_118 = arith.constant 1 : i32
    %sub3A_119 = vector.broadcast %sub3A_118 : i32 to vector<8x1024xi32>
    %sub3A_120 = arith.subi %div3A_93, %sub3A_119 : vector<8x1024xi32>
    %select_n3A_121 = arith.select %and3A_117, %sub3A_120, %div3A_93 : vector<8x1024xi1>, vector<8x1024xi32>
    %iota3A_122 = tpu.iota {dimensions = array<i32: 0>} : vector<8x1024xi32>
    %eq3A_123 = arith.cmpi eq, %select_n3A_121, %iota3A_122 : vector<8x1024xi32>
    %jit3A_124 = arith.constant 0.000000e+00 : f32
    %broadcast_in_dim3A_125 = vector.broadcast %jit3A_124 : f32 to vector<8x1024xf32>
    %select_n3A_126 = arith.select %eq3A_123, %concatenate3A_89, %broadcast_in_dim3A_125 : vector<8x1024xi1>, vector<8x1024xf32>
    %dot_general3A_127 = arith.constant dense<0.000000e+00> : vector<8x128xf32>
    %dot_general3A_128 = tpu.matmul %select_n3A_126, %reshape3A_88, %dot_general3A_127 {dimension_numbers = #tpu.dot_dimension_numbers<[1], [0], [0], [1], [0, 0, 1, 1], [], []>, transpose_lhs_hint = false} : vector<8x1024xf32>, vector<1024x128xf32>, vector<8x128xf32> -> vector<8x128xf32>
    %get3A_129 = arith.constant 24 : index
    %get3A_130 = arith.constant 0 : index
    %get3A_131 = vector.load %arg1[%get3A_129, %get3A_130] : memref<200x128xf32, #tpu.memory_space<vmem>>, vector<8x128xf32>
    %get3A_132 = arith.constant 24 : index
    %get3A_133 = arith.constant 0 : index
    %get3A_134 = arith.constant 0 : index
    %get3A_135 = vector.load %arg2[%get3A_132, %get3A_133, %get3A_134] : memref<200x128x128xf32, #tpu.memory_space<vmem>>, vector<8x128x128xf32>
    %reshape3A_136 = vector.shape_cast %get3A_135 : vector<8x128x128xf32> to vector<1024x128xf32>
    %concatenate3A_137 = tpu.concatenate %get3A_131, %get3A_131, %get3A_131, %get3A_131, %get3A_131, %get3A_131, %get3A_131, %get3A_131 in 1 : vector<8x128xf32>, vector<8x128xf32>, vector<8x128xf32>, vector<8x128xf32>, vector<8x128xf32>, vector<8x128xf32>, vector<8x128xf32>, vector<8x128xf32> -> vector<8x1024xf32>
    %iota3A_138 = tpu.iota {dimensions = array<i32: 1>} : vector<8x1024xi32>
    %jit3A_139 = arith.constant 128 : i32
    %div3A_140 = vector.broadcast %jit3A_139 : i32 to vector<8x1024xi32>
    %div3A_141 = arith.divsi %iota3A_138, %div3A_140 : vector<8x1024xi32>
    %sign3A_142 = arith.constant 0 : i32
    %sign3A_143 = vector.broadcast %sign3A_142 : i32 to vector<8x1024xi32>
    %sign3A_144 = arith.cmpi sgt, %iota3A_138, %sign3A_143 : vector<8x1024xi32>
    %sign3A_145 = arith.extui %sign3A_144 : vector<8x1024xi1> to vector<8x1024xi32>
    %sign3A_146 = arith.constant 0 : i32
    %sign3A_147 = vector.broadcast %sign3A_146 : i32 to vector<8x1024xi32>
    %sign3A_148 = arith.cmpi slt, %iota3A_138, %sign3A_147 : vector<8x1024xi32>
    %sign3A_149 = arith.extui %sign3A_148 : vector<8x1024xi1> to vector<8x1024xi32>
    %sign3A_150 = arith.subi %sign3A_145, %sign3A_149 : vector<8x1024xi32>
    %sign3A_151 = arith.constant 0 : i32
    %sign3A_152 = arith.cmpi sgt, %jit3A_139, %sign3A_151 : i32
    %sign3A_153 = arith.extui %sign3A_152 : i1 to i32
    %sign3A_154 = arith.constant 0 : i32
    %sign3A_155 = arith.cmpi slt, %jit3A_139, %sign3A_154 : i32
    %sign3A_156 = arith.extui %sign3A_155 : i1 to i32
    %sign3A_157 = arith.subi %sign3A_153, %sign3A_156 : i32
    %ne3A_158 = vector.broadcast %sign3A_157 : i32 to vector<8x1024xi32>
    %ne3A_159 = arith.cmpi ne, %sign3A_150, %ne3A_158 : vector<8x1024xi32>
    %rem3A_160 = vector.broadcast %jit3A_139 : i32 to vector<8x1024xi32>
    %rem3A_161 = arith.remsi %iota3A_138, %rem3A_160 : vector<8x1024xi32>
    %ne3A_162 = arith.constant 0 : i32
    %ne3A_163 = vector.broadcast %ne3A_162 : i32 to vector<8x1024xi32>
    %ne3A_164 = arith.cmpi ne, %rem3A_161, %ne3A_163 : vector<8x1024xi32>
    %and3A_165 = arith.andi %ne3A_159, %ne3A_164 : vector<8x1024xi1>
    %sub3A_166 = arith.constant 1 : i32
    %sub3A_167 = vector.broadcast %sub3A_166 : i32 to vector<8x1024xi32>
    %sub3A_168 = arith.subi %div3A_141, %sub3A_167 : vector<8x1024xi32>
    %select_n3A_169 = arith.select %and3A_165, %sub3A_168, %div3A_141 : vector<8x1024xi1>, vector<8x1024xi32>
    %iota3A_170 = tpu.iota {dimensions = array<i32: 0>} : vector<8x1024xi32>
    %eq3A_171 = arith.cmpi eq, %select_n3A_169, %iota3A_170 : vector<8x1024xi32>
    %jit3A_172 = arith.constant 0.000000e+00 : f32
    %broadcast_in_dim3A_173 = vector.broadcast %jit3A_172 : f32 to vector<8x1024xf32>
    %select_n3A_174 = arith.select %eq3A_171, %concatenate3A_137, %broadcast_in_dim3A_173 : vector<8x1024xi1>, vector<8x1024xf32>
    %dot_general3A_175 = arith.constant dense<0.000000e+00> : vector<8x128xf32>
    %dot_general3A_176 = tpu.matmul %select_n3A_174, %reshape3A_136, %dot_general3A_175 {dimension_numbers = #tpu.dot_dimension_numbers<[1], [0], [0], [1], [0, 0, 1, 1], [], []>, transpose_lhs_hint = false} : vector<8x1024xf32>, vector<1024x128xf32>, vector<8x128xf32> -> vector<8x128xf32>
    %get3A_177 = arith.constant 32 : index
    %get3A_178 = arith.constant 0 : index
    %get3A_179 = vector.load %arg1[%get3A_177, %get3A_178] : memref<200x128xf32, #tpu.memory_space<vmem>>, vector<8x128xf32>
    %get3A_180 = arith.constant 32 : index
    %get3A_181 = arith.constant 0 : index
    %get3A_182 = arith.constant 0 : index
    %get3A_183 = vector.load %arg2[%get3A_180, %get3A_181, %get3A_182] : memref<200x128x128xf32, #tpu.memory_space<vmem>>, vector<8x128x128xf32>
    %reshape3A_184 = vector.shape_cast %get3A_183 : vector<8x128x128xf32> to vector<1024x128xf32>
    %concatenate3A_185 = tpu.concatenate %get3A_179, %get3A_179, %get3A_179, %get3A_179, %get3A_179, %get3A_179, %get3A_179, %get3A_179 in 1 : vector<8x128xf32>, vector<8x128xf32>, vector<8x128xf32>, vector<8x128xf32>, vector<8x128xf32>, vector<8x128xf32>, vector<8x128xf32>, vector<8x128xf32> -> vector<8x1024xf32>
    %iota3A_186 = tpu.iota {dimensions = array<i32: 1>} : vector<8x1024xi32>
    %jit3A_187 = arith.constant 128 : i32
    %div3A_188 = vector.broadcast %jit3A_187 : i32 to vector<8x1024xi32>
    %div3A_189 = arith.divsi %iota3A_186, %div3A_188 : vector<8x1024xi32>
    %sign3A_190 = arith.constant 0 : i32
    %sign3A_191 = vector.broadcast %sign3A_190 : i32 to vector<8x1024xi32>
    %sign3A_192 = arith.cmpi sgt, %iota3A_186, %sign3A_191 : vector<8x1024xi32>
    %sign3A_193 = arith.extui %sign3A_192 : vector<8x1024xi1> to vector<8x1024xi32>
    %sign3A_194 = arith.constant 0 : i32
    %sign3A_195 = vector.broadcast %sign3A_194 : i32 to vector<8x1024xi32>
    %sign3A_196 = arith.cmpi slt, %iota3A_186, %sign3A_195 : vector<8x1024xi32>
    %sign3A_197 = arith.extui %sign3A_196 : vector<8x1024xi1> to vector<8x1024xi32>
    %sign3A_198 = arith.subi %sign3A_193, %sign3A_197 : vector<8x1024xi32>
    %sign3A_199 = arith.constant 0 : i32
    %sign3A_200 = arith.cmpi sgt, %jit3A_187, %sign3A_199 : i32
    %sign3A_201 = arith.extui %sign3A_200 : i1 to i32
    %sign3A_202 = arith.constant 0 : i32
    %sign3A_203 = arith.cmpi slt, %jit3A_187, %sign3A_202 : i32
    %sign3A_204 = arith.extui %sign3A_203 : i1 to i32
    %sign3A_205 = arith.subi %sign3A_201, %sign3A_204 : i32
    %ne3A_206 = vector.broadcast %sign3A_205 : i32 to vector<8x1024xi32>
    %ne3A_207 = arith.cmpi ne, %sign3A_198, %ne3A_206 : vector<8x1024xi32>
    %rem3A_208 = vector.broadcast %jit3A_187 : i32 to vector<8x1024xi32>
    %rem3A_209 = arith.remsi %iota3A_186, %rem3A_208 : vector<8x1024xi32>
    %ne3A_210 = arith.constant 0 : i32
    %ne3A_211 = vector.broadcast %ne3A_210 : i32 to vector<8x1024xi32>
    %ne3A_212 = arith.cmpi ne, %rem3A_209, %ne3A_211 : vector<8x1024xi32>
    %and3A_213 = arith.andi %ne3A_207, %ne3A_212 : vector<8x1024xi1>
    %sub3A_214 = arith.constant 1 : i32
    %sub3A_215 = vector.broadcast %sub3A_214 : i32 to vector<8x1024xi32>
    %sub3A_216 = arith.subi %div3A_189, %sub3A_215 : vector<8x1024xi32>
    %select_n3A_217 = arith.select %and3A_213, %sub3A_216, %div3A_189 : vector<8x1024xi1>, vector<8x1024xi32>
    %iota3A_218 = tpu.iota {dimensions = array<i32: 0>} : vector<8x1024xi32>
    %eq3A_219 = arith.cmpi eq, %select_n3A_217, %iota3A_218 : vector<8x1024xi32>
    %jit3A_220 = arith.constant 0.000000e+00 : f32
    %broadcast_in_dim3A_221 = vector.broadcast %jit3A_220 : f32 to vector<8x1024xf32>
    %select_n3A_222 = arith.select %eq3A_219, %concatenate3A_185, %broadcast_in_dim3A_221 : vector<8x1024xi1>, vector<8x1024xf32>
    %dot_general3A_223 = arith.constant dense<0.000000e+00> : vector<8x128xf32>
    %dot_general3A_224 = tpu.matmul %select_n3A_222, %reshape3A_184, %dot_general3A_223 {dimension_numbers = #tpu.dot_dimension_numbers<[1], [0], [0], [1], [0, 0, 1, 1], [], []>, transpose_lhs_hint = false} : vector<8x1024xf32>, vector<1024x128xf32>, vector<8x128xf32> -> vector<8x128xf32>
    %get3A_225 = arith.constant 40 : index
    %get3A_226 = arith.constant 0 : index
    %get3A_227 = vector.load %arg1[%get3A_225, %get3A_226] : memref<200x128xf32, #tpu.memory_space<vmem>>, vector<8x128xf32>
    %get3A_228 = arith.constant 40 : index
    %get3A_229 = arith.constant 0 : index
    %get3A_230 = arith.constant 0 : index
    %get3A_231 = vector.load %arg2[%get3A_228, %get3A_229, %get3A_230] : memref<200x128x128xf32, #tpu.memory_space<vmem>>, vector<8x128x128xf32>
    %reshape3A_232 = vector.shape_cast %get3A_231 : vector<8x128x128xf32> to vector<1024x128xf32>
    %concatenate3A_233 = tpu.concatenate %get3A_227, %get3A_227, %get3A_227, %get3A_227, %get3A_227, %get3A_227, %get3A_227, %get3A_227 in 1 : vector<8x128xf32>, vector<8x128xf32>, vector<8x128xf32>, vector<8x128xf32>, vector<8x128xf32>, vector<8x128xf32>, vector<8x128xf32>, vector<8x128xf32> -> vector<8x1024xf32>
    %iota3A_234 = tpu.iota {dimensions = array<i32: 1>} : vector<8x1024xi32>
    %jit3A_235 = arith.constant 128 : i32
    %div3A_236 = vector.broadcast %jit3A_235 : i32 to vector<8x1024xi32>
    %div3A_237 = arith.divsi %iota3A_234, %div3A_236 : vector<8x1024xi32>
    %sign3A_238 = arith.constant 0 : i32
    %sign3A_239 = vector.broadcast %sign3A_238 : i32 to vector<8x1024xi32>
    %sign3A_240 = arith.cmpi sgt, %iota3A_234, %sign3A_239 : vector<8x1024xi32>
    %sign3A_241 = arith.extui %sign3A_240 : vector<8x1024xi1> to vector<8x1024xi32>
    %sign3A_242 = arith.constant 0 : i32
    %sign3A_243 = vector.broadcast %sign3A_242 : i32 to vector<8x1024xi32>
    %sign3A_244 = arith.cmpi slt, %iota3A_234, %sign3A_243 : vector<8x1024xi32>
    %sign3A_245 = arith.extui %sign3A_244 : vector<8x1024xi1> to vector<8x1024xi32>
    %sign3A_246 = arith.subi %sign3A_241, %sign3A_245 : vector<8x1024xi32>
    %sign3A_247 = arith.constant 0 : i32
    %sign3A_248 = arith.cmpi sgt, %jit3A_235, %sign3A_247 : i32
    %sign3A_249 = arith.extui %sign3A_248 : i1 to i32
    %sign3A_250 = arith.constant 0 : i32
    %sign3A_251 = arith.cmpi slt, %jit3A_235, %sign3A_250 : i32
    %sign3A_252 = arith.extui %sign3A_251 : i1 to i32
    %sign3A_253 = arith.subi %sign3A_249, %sign3A_252 : i32
    %ne3A_254 = vector.broadcast %sign3A_253 : i32 to vector<8x1024xi32>
    %ne3A_255 = arith.cmpi ne, %sign3A_246, %ne3A_254 : vector<8x1024xi32>
    %rem3A_256 = vector.broadcast %jit3A_235 : i32 to vector<8x1024xi32>
    %rem3A_257 = arith.remsi %iota3A_234, %rem3A_256 : vector<8x1024xi32>
    %ne3A_258 = arith.constant 0 : i32
    %ne3A_259 = vector.broadcast %ne3A_258 : i32 to vector<8x1024xi32>
    %ne3A_260 = arith.cmpi ne, %rem3A_257, %ne3A_259 : vector<8x1024xi32>
    %and3A_261 = arith.andi %ne3A_255, %ne3A_260 : vector<8x1024xi1>
    %sub3A_262 = arith.constant 1 : i32
    %sub3A_263 = vector.broadcast %sub3A_262 : i32 to vector<8x1024xi32>
    %sub3A_264 = arith.subi %div3A_237, %sub3A_263 : vector<8x1024xi32>
    %select_n3A_265 = arith.select %and3A_261, %sub3A_264, %div3A_237 : vector<8x1024xi1>, vector<8x1024xi32>
    %iota3A_266 = tpu.iota {dimensions = array<i32: 0>} : vector<8x1024xi32>
    %eq3A_267 = arith.cmpi eq, %select_n3A_265, %iota3A_266 : vector<8x1024xi32>
    %jit3A_268 = arith.constant 0.000000e+00 : f32
    %broadcast_in_dim3A_269 = vector.broadcast %jit3A_268 : f32 to vector<8x1024xf32>
    %select_n3A_270 = arith.select %eq3A_267, %concatenate3A_233, %broadcast_in_dim3A_269 : vector<8x1024xi1>, vector<8x1024xf32>
    %dot_general3A_271 = arith.constant dense<0.000000e+00> : vector<8x128xf32>
    %dot_general3A_272 = tpu.matmul %select_n3A_270, %reshape3A_232, %dot_general3A_271 {dimension_numbers = #tpu.dot_dimension_numbers<[1], [0], [0], [1], [0, 0, 1, 1], [], []>, transpose_lhs_hint = false} : vector<8x1024xf32>, vector<1024x128xf32>, vector<8x128xf32> -> vector<8x128xf32>
    %get3A_273 = arith.constant 48 : index
    %get3A_274 = arith.constant 0 : index
    %get3A_275 = vector.load %arg1[%get3A_273, %get3A_274] : memref<200x128xf32, #tpu.memory_space<vmem>>, vector<8x128xf32>
    %get3A_276 = arith.constant 48 : index
    %get3A_277 = arith.constant 0 : index
    %get3A_278 = arith.constant 0 : index
    %get3A_279 = vector.load %arg2[%get3A_276, %get3A_277, %get3A_278] : memref<200x128x128xf32, #tpu.memory_space<vmem>>, vector<8x128x128xf32>
    %reshape3A_280 = vector.shape_cast %get3A_279 : vector<8x128x128xf32> to vector<1024x128xf32>
    %concatenate3A_281 = tpu.concatenate %get3A_275, %get3A_275, %get3A_275, %get3A_275, %get3A_275, %get3A_275, %get3A_275, %get3A_275 in 1 : vector<8x128xf32>, vector<8x128xf32>, vector<8x128xf32>, vector<8x128xf32>, vector<8x128xf32>, vector<8x128xf32>, vector<8x128xf32>, vector<8x128xf32> -> vector<8x1024xf32>
    %iota3A_282 = tpu.iota {dimensions = array<i32: 1>} : vector<8x1024xi32>
    %jit3A_283 = arith.constant 128 : i32
    %div3A_284 = vector.broadcast %jit3A_283 : i32 to vector<8x1024xi32>
    %div3A_285 = arith.divsi %iota3A_282, %div3A_284 : vector<8x1024xi32>
    %sign3A_286 = arith.constant 0 : i32
    %sign3A_287 = vector.broadcast %sign3A_286 : i32 to vector<8x1024xi32>
    %sign3A_288 = arith.cmpi sgt, %iota3A_282, %sign3A_287 : vector<8x1024xi32>
    %sign3A_289 = arith.extui %sign3A_288 : vector<8x1024xi1> to vector<8x1024xi32>
    %sign3A_290 = arith.constant 0 : i32
    %sign3A_291 = vector.broadcast %sign3A_290 : i32 to vector<8x1024xi32>
    %sign3A_292 = arith.cmpi slt, %iota3A_282, %sign3A_291 : vector<8x1024xi32>
    %sign3A_293 = arith.extui %sign3A_292 : vector<8x1024xi1> to vector<8x1024xi32>
    %sign3A_294 = arith.subi %sign3A_289, %sign3A_293 : vector<8x1024xi32>
    %sign3A_295 = arith.constant 0 : i32
    %sign3A_296 = arith.cmpi sgt, %jit3A_283, %sign3A_295 : i32
    %sign3A_297 = arith.extui %sign3A_296 : i1 to i32
    %sign3A_298 = arith.constant 0 : i32
    %sign3A_299 = arith.cmpi slt, %jit3A_283, %sign3A_298 : i32
    %sign3A_300 = arith.extui %sign3A_299 : i1 to i32
    %sign3A_301 = arith.subi %sign3A_297, %sign3A_300 : i32
    %ne3A_302 = vector.broadcast %sign3A_301 : i32 to vector<8x1024xi32>
    %ne3A_303 = arith.cmpi ne, %sign3A_294, %ne3A_302 : vector<8x1024xi32>
    %rem3A_304 = vector.broadcast %jit3A_283 : i32 to vector<8x1024xi32>
    %rem3A_305 = arith.remsi %iota3A_282, %rem3A_304 : vector<8x1024xi32>
    %ne3A_306 = arith.constant 0 : i32
    %ne3A_307 = vector.broadcast %ne3A_306 : i32 to vector<8x1024xi32>
    %ne3A_308 = arith.cmpi ne, %rem3A_305, %ne3A_307 : vector<8x1024xi32>
    %and3A_309 = arith.andi %ne3A_303, %ne3A_308 : vector<8x1024xi1>
    %sub3A_310 = arith.constant 1 : i32
    %sub3A_311 = vector.broadcast %sub3A_310 : i32 to vector<8x1024xi32>
    %sub3A_312 = arith.subi %div3A_285, %sub3A_311 : vector<8x1024xi32>
    %select_n3A_313 = arith.select %and3A_309, %sub3A_312, %div3A_285 : vector<8x1024xi1>, vector<8x1024xi32>
    %iota3A_314 = tpu.iota {dimensions = array<i32: 0>} : vector<8x1024xi32>
    %eq3A_315 = arith.cmpi eq, %select_n3A_313, %iota3A_314 : vector<8x1024xi32>
    %jit3A_316 = arith.constant 0.000000e+00 : f32
    %broadcast_in_dim3A_317 = vector.broadcast %jit3A_316 : f32 to vector<8x1024xf32>
    %select_n3A_318 = arith.select %eq3A_315, %concatenate3A_281, %broadcast_in_dim3A_317 : vector<8x1024xi1>, vector<8x1024xf32>
    %dot_general3A_319 = arith.constant dense<0.000000e+00> : vector<8x128xf32>
    %dot_general3A_320 = tpu.matmul %select_n3A_318, %reshape3A_280, %dot_general3A_319 {dimension_numbers = #tpu.dot_dimension_numbers<[1], [0], [0], [1], [0, 0, 1, 1], [], []>, transpose_lhs_hint = false} : vector<8x1024xf32>, vector<1024x128xf32>, vector<8x128xf32> -> vector<8x128xf32>
    %get3A_321 = arith.constant 56 : index
    %get3A_322 = arith.constant 0 : index
    %get3A_323 = vector.load %arg1[%get3A_321, %get3A_322] : memref<200x128xf32, #tpu.memory_space<vmem>>, vector<8x128xf32>
    %get3A_324 = arith.constant 56 : index
    %get3A_325 = arith.constant 0 : index
    %get3A_326 = arith.constant 0 : index
    %get3A_327 = vector.load %arg2[%get3A_324, %get3A_325, %get3A_326] : memref<200x128x128xf32, #tpu.memory_space<vmem>>, vector<8x128x128xf32>
    %reshape3A_328 = vector.shape_cast %get3A_327 : vector<8x128x128xf32> to vector<1024x128xf32>
    %concatenate3A_329 = tpu.concatenate %get3A_323, %get3A_323, %get3A_323, %get3A_323, %get3A_323, %get3A_323, %get3A_323, %get3A_323 in 1 : vector<8x128xf32>, vector<8x128xf32>, vector<8x128xf32>, vector<8x128xf32>, vector<8x128xf32>, vector<8x128xf32>, vector<8x128xf32>, vector<8x128xf32> -> vector<8x1024xf32>
    %iota3A_330 = tpu.iota {dimensions = array<i32: 1>} : vector<8x1024xi32>
    %jit3A_331 = arith.constant 128 : i32
    %div3A_332 = vector.broadcast %jit3A_331 : i32 to vector<8x1024xi32>
    %div3A_333 = arith.divsi %iota3A_330, %div3A_332 : vector<8x1024xi32>
    %sign3A_334 = arith.constant 0 : i32
    %sign3A_335 = vector.broadcast %sign3A_334 : i32 to vector<8x1024xi32>
    %sign3A_336 = arith.cmpi sgt, %iota3A_330, %sign3A_335 : vector<8x1024xi32>
    %sign3A_337 = arith.extui %sign3A_336 : vector<8x1024xi1> to vector<8x1024xi32>
    %sign3A_338 = arith.constant 0 : i32
    %sign3A_339 = vector.broadcast %sign3A_338 : i32 to vector<8x1024xi32>
    %sign3A_340 = arith.cmpi slt, %iota3A_330, %sign3A_339 : vector<8x1024xi32>
    %sign3A_341 = arith.extui %sign3A_340 : vector<8x1024xi1> to vector<8x1024xi32>
    %sign3A_342 = arith.subi %sign3A_337, %sign3A_341 : vector<8x1024xi32>
    %sign3A_343 = arith.constant 0 : i32
    %sign3A_344 = arith.cmpi sgt, %jit3A_331, %sign3A_343 : i32
    %sign3A_345 = arith.extui %sign3A_344 : i1 to i32
    %sign3A_346 = arith.constant 0 : i32
    %sign3A_347 = arith.cmpi slt, %jit3A_331, %sign3A_346 : i32
    %sign3A_348 = arith.extui %sign3A_347 : i1 to i32
    %sign3A_349 = arith.subi %sign3A_345, %sign3A_348 : i32
    %ne3A_350 = vector.broadcast %sign3A_349 : i32 to vector<8x1024xi32>
    %ne3A_351 = arith.cmpi ne, %sign3A_342, %ne3A_350 : vector<8x1024xi32>
    %rem3A_352 = vector.broadcast %jit3A_331 : i32 to vector<8x1024xi32>
    %rem3A_353 = arith.remsi %iota3A_330, %rem3A_352 : vector<8x1024xi32>
    %ne3A_354 = arith.constant 0 : i32
    %ne3A_355 = vector.broadcast %ne3A_354 : i32 to vector<8x1024xi32>
    %ne3A_356 = arith.cmpi ne, %rem3A_353, %ne3A_355 : vector<8x1024xi32>
    %and3A_357 = arith.andi %ne3A_351, %ne3A_356 : vector<8x1024xi1>
    %sub3A_358 = arith.constant 1 : i32
    %sub3A_359 = vector.broadcast %sub3A_358 : i32 to vector<8x1024xi32>
    %sub3A_360 = arith.subi %div3A_333, %sub3A_359 : vector<8x1024xi32>
    %select_n3A_361 = arith.select %and3A_357, %sub3A_360, %div3A_333 : vector<8x1024xi1>, vector<8x1024xi32>
    %iota3A_362 = tpu.iota {dimensions = array<i32: 0>} : vector<8x1024xi32>
    %eq3A_363 = arith.cmpi eq, %select_n3A_361, %iota3A_362 : vector<8x1024xi32>
    %jit3A_364 = arith.constant 0.000000e+00 : f32
    %broadcast_in_dim3A_365 = vector.broadcast %jit3A_364 : f32 to vector<8x1024xf32>
    %select_n3A_366 = arith.select %eq3A_363, %concatenate3A_329, %broadcast_in_dim3A_365 : vector<8x1024xi1>, vector<8x1024xf32>
    %dot_general3A_367 = arith.constant dense<0.000000e+00> : vector<8x128xf32>
    %dot_general3A_368 = tpu.matmul %select_n3A_366, %reshape3A_328, %dot_general3A_367 {dimension_numbers = #tpu.dot_dimension_numbers<[1], [0], [0], [1], [0, 0, 1, 1], [], []>, transpose_lhs_hint = false} : vector<8x1024xf32>, vector<1024x128xf32>, vector<8x128xf32> -> vector<8x128xf32>
    %get3A_369 = arith.constant 64 : index
    %get3A_370 = arith.constant 0 : index
    %get3A_371 = vector.load %arg1[%get3A_369, %get3A_370] : memref<200x128xf32, #tpu.memory_space<vmem>>, vector<8x128xf32>
    %get3A_372 = arith.constant 64 : index
    %get3A_373 = arith.constant 0 : index
    %get3A_374 = arith.constant 0 : index
    %get3A_375 = vector.load %arg2[%get3A_372, %get3A_373, %get3A_374] : memref<200x128x128xf32, #tpu.memory_space<vmem>>, vector<8x128x128xf32>
    %reshape3A_376 = vector.shape_cast %get3A_375 : vector<8x128x128xf32> to vector<1024x128xf32>
    %concatenate3A_377 = tpu.concatenate %get3A_371, %get3A_371, %get3A_371, %get3A_371, %get3A_371, %get3A_371, %get3A_371, %get3A_371 in 1 : vector<8x128xf32>, vector<8x128xf32>, vector<8x128xf32>, vector<8x128xf32>, vector<8x128xf32>, vector<8x128xf32>, vector<8x128xf32>, vector<8x128xf32> -> vector<8x1024xf32>
    %iota3A_378 = tpu.iota {dimensions = array<i32: 1>} : vector<8x1024xi32>
    %jit3A_379 = arith.constant 128 : i32
    %div3A_380 = vector.broadcast %jit3A_379 : i32 to vector<8x1024xi32>
    %div3A_381 = arith.divsi %iota3A_378, %div3A_380 : vector<8x1024xi32>
    %sign3A_382 = arith.constant 0 : i32
    %sign3A_383 = vector.broadcast %sign3A_382 : i32 to vector<8x1024xi32>
    %sign3A_384 = arith.cmpi sgt, %iota3A_378, %sign3A_383 : vector<8x1024xi32>
    %sign3A_385 = arith.extui %sign3A_384 : vector<8x1024xi1> to vector<8x1024xi32>
    %sign3A_386 = arith.constant 0 : i32
    %sign3A_387 = vector.broadcast %sign3A_386 : i32 to vector<8x1024xi32>
    %sign3A_388 = arith.cmpi slt, %iota3A_378, %sign3A_387 : vector<8x1024xi32>
    %sign3A_389 = arith.extui %sign3A_388 : vector<8x1024xi1> to vector<8x1024xi32>
    %sign3A_390 = arith.subi %sign3A_385, %sign3A_389 : vector<8x1024xi32>
    %sign3A_391 = arith.constant 0 : i32
    %sign3A_392 = arith.cmpi sgt, %jit3A_379, %sign3A_391 : i32
    %sign3A_393 = arith.extui %sign3A_392 : i1 to i32
    %sign3A_394 = arith.constant 0 : i32
    %sign3A_395 = arith.cmpi slt, %jit3A_379, %sign3A_394 : i32
    %sign3A_396 = arith.extui %sign3A_395 : i1 to i32
    %sign3A_397 = arith.subi %sign3A_393, %sign3A_396 : i32
    %ne3A_398 = vector.broadcast %sign3A_397 : i32 to vector<8x1024xi32>
    %ne3A_399 = arith.cmpi ne, %sign3A_390, %ne3A_398 : vector<8x1024xi32>
    %rem3A_400 = vector.broadcast %jit3A_379 : i32 to vector<8x1024xi32>
    %rem3A_401 = arith.remsi %iota3A_378, %rem3A_400 : vector<8x1024xi32>
    %ne3A_402 = arith.constant 0 : i32
    %ne3A_403 = vector.broadcast %ne3A_402 : i32 to vector<8x1024xi32>
    %ne3A_404 = arith.cmpi ne, %rem3A_401, %ne3A_403 : vector<8x1024xi32>
    %and3A_405 = arith.andi %ne3A_399, %ne3A_404 : vector<8x1024xi1>
    %sub3A_406 = arith.constant 1 : i32
    %sub3A_407 = vector.broadcast %sub3A_406 : i32 to vector<8x1024xi32>
    %sub3A_408 = arith.subi %div3A_381, %sub3A_407 : vector<8x1024xi32>
    %select_n3A_409 = arith.select %and3A_405, %sub3A_408, %div3A_381 : vector<8x1024xi1>, vector<8x1024xi32>
    %iota3A_410 = tpu.iota {dimensions = array<i32: 0>} : vector<8x1024xi32>
    %eq3A_411 = arith.cmpi eq, %select_n3A_409, %iota3A_410 : vector<8x1024xi32>
    %jit3A_412 = arith.constant 0.000000e+00 : f32
    %broadcast_in_dim3A_413 = vector.broadcast %jit3A_412 : f32 to vector<8x1024xf32>
    %select_n3A_414 = arith.select %eq3A_411, %concatenate3A_377, %broadcast_in_dim3A_413 : vector<8x1024xi1>, vector<8x1024xf32>
    %dot_general3A_415 = arith.constant dense<0.000000e+00> : vector<8x128xf32>
    %dot_general3A_416 = tpu.matmul %select_n3A_414, %reshape3A_376, %dot_general3A_415 {dimension_numbers = #tpu.dot_dimension_numbers<[1], [0], [0], [1], [0, 0, 1, 1], [], []>, transpose_lhs_hint = false} : vector<8x1024xf32>, vector<1024x128xf32>, vector<8x128xf32> -> vector<8x128xf32>
    %get3A_417 = arith.constant 72 : index
    %get3A_418 = arith.constant 0 : index
    %get3A_419 = vector.load %arg1[%get3A_417, %get3A_418] : memref<200x128xf32, #tpu.memory_space<vmem>>, vector<8x128xf32>
    %get3A_420 = arith.constant 72 : index
    %get3A_421 = arith.constant 0 : index
    %get3A_422 = arith.constant 0 : index
    %get3A_423 = vector.load %arg2[%get3A_420, %get3A_421, %get3A_422] : memref<200x128x128xf32, #tpu.memory_space<vmem>>, vector<8x128x128xf32>
    %reshape3A_424 = vector.shape_cast %get3A_423 : vector<8x128x128xf32> to vector<1024x128xf32>
    %concatenate3A_425 = tpu.concatenate %get3A_419, %get3A_419, %get3A_419, %get3A_419, %get3A_419, %get3A_419, %get3A_419, %get3A_419 in 1 : vector<8x128xf32>, vector<8x128xf32>, vector<8x128xf32>, vector<8x128xf32>, vector<8x128xf32>, vector<8x128xf32>, vector<8x128xf32>, vector<8x128xf32> -> vector<8x1024xf32>
    %iota3A_426 = tpu.iota {dimensions = array<i32: 1>} : vector<8x1024xi32>
    %jit3A_427 = arith.constant 128 : i32
    %div3A_428 = vector.broadcast %jit3A_427 : i32 to vector<8x1024xi32>
    %div3A_429 = arith.divsi %iota3A_426, %div3A_428 : vector<8x1024xi32>
    %sign3A_430 = arith.constant 0 : i32
    %sign3A_431 = vector.broadcast %sign3A_430 : i32 to vector<8x1024xi32>
    %sign3A_432 = arith.cmpi sgt, %iota3A_426, %sign3A_431 : vector<8x1024xi32>
    %sign3A_433 = arith.extui %sign3A_432 : vector<8x1024xi1> to vector<8x1024xi32>
    %sign3A_434 = arith.constant 0 : i32
    %sign3A_435 = vector.broadcast %sign3A_434 : i32 to vector<8x1024xi32>
    %sign3A_436 = arith.cmpi slt, %iota3A_426, %sign3A_435 : vector<8x1024xi32>
    %sign3A_437 = arith.extui %sign3A_436 : vector<8x1024xi1> to vector<8x1024xi32>
    %sign3A_438 = arith.subi %sign3A_433, %sign3A_437 : vector<8x1024xi32>
    %sign3A_439 = arith.constant 0 : i32
    %sign3A_440 = arith.cmpi sgt, %jit3A_427, %sign3A_439 : i32
    %sign3A_441 = arith.extui %sign3A_440 : i1 to i32
    %sign3A_442 = arith.constant 0 : i32
    %sign3A_443 = arith.cmpi slt, %jit3A_427, %sign3A_442 : i32
    %sign3A_444 = arith.extui %sign3A_443 : i1 to i32
    %sign3A_445 = arith.subi %sign3A_441, %sign3A_444 : i32
    %ne3A_446 = vector.broadcast %sign3A_445 : i32 to vector<8x1024xi32>
    %ne3A_447 = arith.cmpi ne, %sign3A_438, %ne3A_446 : vector<8x1024xi32>
    %rem3A_448 = vector.broadcast %jit3A_427 : i32 to vector<8x1024xi32>
    %rem3A_449 = arith.remsi %iota3A_426, %rem3A_448 : vector<8x1024xi32>
    %ne3A_450 = arith.constant 0 : i32
    %ne3A_451 = vector.broadcast %ne3A_450 : i32 to vector<8x1024xi32>
    %ne3A_452 = arith.cmpi ne, %rem3A_449, %ne3A_451 : vector<8x1024xi32>
    %and3A_453 = arith.andi %ne3A_447, %ne3A_452 : vector<8x1024xi1>
    %sub3A_454 = arith.constant 1 : i32
    %sub3A_455 = vector.broadcast %sub3A_454 : i32 to vector<8x1024xi32>
    %sub3A_456 = arith.subi %div3A_429, %sub3A_455 : vector<8x1024xi32>
    %select_n3A_457 = arith.select %and3A_453, %sub3A_456, %div3A_429 : vector<8x1024xi1>, vector<8x1024xi32>
    %iota3A_458 = tpu.iota {dimensions = array<i32: 0>} : vector<8x1024xi32>
    %eq3A_459 = arith.cmpi eq, %select_n3A_457, %iota3A_458 : vector<8x1024xi32>
    %jit3A_460 = arith.constant 0.000000e+00 : f32
    %broadcast_in_dim3A_461 = vector.broadcast %jit3A_460 : f32 to vector<8x1024xf32>
    %select_n3A_462 = arith.select %eq3A_459, %concatenate3A_425, %broadcast_in_dim3A_461 : vector<8x1024xi1>, vector<8x1024xf32>
    %dot_general3A_463 = arith.constant dense<0.000000e+00> : vector<8x128xf32>
    %dot_general3A_464 = tpu.matmul %select_n3A_462, %reshape3A_424, %dot_general3A_463 {dimension_numbers = #tpu.dot_dimension_numbers<[1], [0], [0], [1], [0, 0, 1, 1], [], []>, transpose_lhs_hint = false} : vector<8x1024xf32>, vector<1024x128xf32>, vector<8x128xf32> -> vector<8x128xf32>
    %get3A_465 = arith.constant 80 : index
    %get3A_466 = arith.constant 0 : index
    %get3A_467 = vector.load %arg1[%get3A_465, %get3A_466] : memref<200x128xf32, #tpu.memory_space<vmem>>, vector<8x128xf32>
    %get3A_468 = arith.constant 80 : index
    %get3A_469 = arith.constant 0 : index
    %get3A_470 = arith.constant 0 : index
    %get3A_471 = vector.load %arg2[%get3A_468, %get3A_469, %get3A_470] : memref<200x128x128xf32, #tpu.memory_space<vmem>>, vector<8x128x128xf32>
    %reshape3A_472 = vector.shape_cast %get3A_471 : vector<8x128x128xf32> to vector<1024x128xf32>
    %concatenate3A_473 = tpu.concatenate %get3A_467, %get3A_467, %get3A_467, %get3A_467, %get3A_467, %get3A_467, %get3A_467, %get3A_467 in 1 : vector<8x128xf32>, vector<8x128xf32>, vector<8x128xf32>, vector<8x128xf32>, vector<8x128xf32>, vector<8x128xf32>, vector<8x128xf32>, vector<8x128xf32> -> vector<8x1024xf32>
    %iota3A_474 = tpu.iota {dimensions = array<i32: 1>} : vector<8x1024xi32>
    %jit3A_475 = arith.constant 128 : i32
    %div3A_476 = vector.broadcast %jit3A_475 : i32 to vector<8x1024xi32>
    %div3A_477 = arith.divsi %iota3A_474, %div3A_476 : vector<8x1024xi32>
    %sign3A_478 = arith.constant 0 : i32
    %sign3A_479 = vector.broadcast %sign3A_478 : i32 to vector<8x1024xi32>
    %sign3A_480 = arith.cmpi sgt, %iota3A_474, %sign3A_479 : vector<8x1024xi32>
    %sign3A_481 = arith.extui %sign3A_480 : vector<8x1024xi1> to vector<8x1024xi32>
    %sign3A_482 = arith.constant 0 : i32
    %sign3A_483 = vector.broadcast %sign3A_482 : i32 to vector<8x1024xi32>
    %sign3A_484 = arith.cmpi slt, %iota3A_474, %sign3A_483 : vector<8x1024xi32>
    %sign3A_485 = arith.extui %sign3A_484 : vector<8x1024xi1> to vector<8x1024xi32>
    %sign3A_486 = arith.subi %sign3A_481, %sign3A_485 : vector<8x1024xi32>
    %sign3A_487 = arith.constant 0 : i32
    %sign3A_488 = arith.cmpi sgt, %jit3A_475, %sign3A_487 : i32
    %sign3A_489 = arith.extui %sign3A_488 : i1 to i32
    %sign3A_490 = arith.constant 0 : i32
    %sign3A_491 = arith.cmpi slt, %jit3A_475, %sign3A_490 : i32
    %sign3A_492 = arith.extui %sign3A_491 : i1 to i32
    %sign3A_493 = arith.subi %sign3A_489, %sign3A_492 : i32
    %ne3A_494 = vector.broadcast %sign3A_493 : i32 to vector<8x1024xi32>
    %ne3A_495 = arith.cmpi ne, %sign3A_486, %ne3A_494 : vector<8x1024xi32>
    %rem3A_496 = vector.broadcast %jit3A_475 : i32 to vector<8x1024xi32>
    %rem3A_497 = arith.remsi %iota3A_474, %rem3A_496 : vector<8x1024xi32>
    %ne3A_498 = arith.constant 0 : i32
    %ne3A_499 = vector.broadcast %ne3A_498 : i32 to vector<8x1024xi32>
    %ne3A_500 = arith.cmpi ne, %rem3A_497, %ne3A_499 : vector<8x1024xi32>
    %and3A_501 = arith.andi %ne3A_495, %ne3A_500 : vector<8x1024xi1>
    %sub3A_502 = arith.constant 1 : i32
    %sub3A_503 = vector.broadcast %sub3A_502 : i32 to vector<8x1024xi32>
    %sub3A_504 = arith.subi %div3A_477, %sub3A_503 : vector<8x1024xi32>
    %select_n3A_505 = arith.select %and3A_501, %sub3A_504, %div3A_477 : vector<8x1024xi1>, vector<8x1024xi32>
    %iota3A_506 = tpu.iota {dimensions = array<i32: 0>} : vector<8x1024xi32>
    %eq3A_507 = arith.cmpi eq, %select_n3A_505, %iota3A_506 : vector<8x1024xi32>
    %jit3A_508 = arith.constant 0.000000e+00 : f32
    %broadcast_in_dim3A_509 = vector.broadcast %jit3A_508 : f32 to vector<8x1024xf32>
    %select_n3A_510 = arith.select %eq3A_507, %concatenate3A_473, %broadcast_in_dim3A_509 : vector<8x1024xi1>, vector<8x1024xf32>
    %dot_general3A_511 = arith.constant dense<0.000000e+00> : vector<8x128xf32>
    %dot_general3A_512 = tpu.matmul %select_n3A_510, %reshape3A_472, %dot_general3A_511 {dimension_numbers = #tpu.dot_dimension_numbers<[1], [0], [0], [1], [0, 0, 1, 1], [], []>, transpose_lhs_hint = false} : vector<8x1024xf32>, vector<1024x128xf32>, vector<8x128xf32> -> vector<8x128xf32>
    %get3A_513 = arith.constant 88 : index
    %get3A_514 = arith.constant 0 : index
    %get3A_515 = vector.load %arg1[%get3A_513, %get3A_514] : memref<200x128xf32, #tpu.memory_space<vmem>>, vector<8x128xf32>
    %get3A_516 = arith.constant 88 : index
    %get3A_517 = arith.constant 0 : index
    %get3A_518 = arith.constant 0 : index
    %get3A_519 = vector.load %arg2[%get3A_516, %get3A_517, %get3A_518] : memref<200x128x128xf32, #tpu.memory_space<vmem>>, vector<8x128x128xf32>
    %reshape3A_520 = vector.shape_cast %get3A_519 : vector<8x128x128xf32> to vector<1024x128xf32>
    %concatenate3A_521 = tpu.concatenate %get3A_515, %get3A_515, %get3A_515, %get3A_515, %get3A_515, %get3A_515, %get3A_515, %get3A_515 in 1 : vector<8x128xf32>, vector<8x128xf32>, vector<8x128xf32>, vector<8x128xf32>, vector<8x128xf32>, vector<8x128xf32>, vector<8x128xf32>, vector<8x128xf32> -> vector<8x1024xf32>
    %iota3A_522 = tpu.iota {dimensions = array<i32: 1>} : vector<8x1024xi32>
    %jit3A_523 = arith.constant 128 : i32
    %div3A_524 = vector.broadcast %jit3A_523 : i32 to vector<8x1024xi32>
    %div3A_525 = arith.divsi %iota3A_522, %div3A_524 : vector<8x1024xi32>
    %sign3A_526 = arith.constant 0 : i32
    %sign3A_527 = vector.broadcast %sign3A_526 : i32 to vector<8x1024xi32>
    %sign3A_528 = arith.cmpi sgt, %iota3A_522, %sign3A_527 : vector<8x1024xi32>
    %sign3A_529 = arith.extui %sign3A_528 : vector<8x1024xi1> to vector<8x1024xi32>
    %sign3A_530 = arith.constant 0 : i32
    %sign3A_531 = vector.broadcast %sign3A_530 : i32 to vector<8x1024xi32>
    %sign3A_532 = arith.cmpi slt, %iota3A_522, %sign3A_531 : vector<8x1024xi32>
    %sign3A_533 = arith.extui %sign3A_532 : vector<8x1024xi1> to vector<8x1024xi32>
    %sign3A_534 = arith.subi %sign3A_529, %sign3A_533 : vector<8x1024xi32>
    %sign3A_535 = arith.constant 0 : i32
    %sign3A_536 = arith.cmpi sgt, %jit3A_523, %sign3A_535 : i32
    %sign3A_537 = arith.extui %sign3A_536 : i1 to i32
    %sign3A_538 = arith.constant 0 : i32
    %sign3A_539 = arith.cmpi slt, %jit3A_523, %sign3A_538 : i32
    %sign3A_540 = arith.extui %sign3A_539 : i1 to i32
    %sign3A_541 = arith.subi %sign3A_537, %sign3A_540 : i32
    %ne3A_542 = vector.broadcast %sign3A_541 : i32 to vector<8x1024xi32>
    %ne3A_543 = arith.cmpi ne, %sign3A_534, %ne3A_542 : vector<8x1024xi32>
    %rem3A_544 = vector.broadcast %jit3A_523 : i32 to vector<8x1024xi32>
    %rem3A_545 = arith.remsi %iota3A_522, %rem3A_544 : vector<8x1024xi32>
    %ne3A_546 = arith.constant 0 : i32
    %ne3A_547 = vector.broadcast %ne3A_546 : i32 to vector<8x1024xi32>
    %ne3A_548 = arith.cmpi ne, %rem3A_545, %ne3A_547 : vector<8x1024xi32>
    %and3A_549 = arith.andi %ne3A_543, %ne3A_548 : vector<8x1024xi1>
    %sub3A_550 = arith.constant 1 : i32
    %sub3A_551 = vector.broadcast %sub3A_550 : i32 to vector<8x1024xi32>
    %sub3A_552 = arith.subi %div3A_525, %sub3A_551 : vector<8x1024xi32>
    %select_n3A_553 = arith.select %and3A_549, %sub3A_552, %div3A_525 : vector<8x1024xi1>, vector<8x1024xi32>
    %iota3A_554 = tpu.iota {dimensions = array<i32: 0>} : vector<8x1024xi32>
    %eq3A_555 = arith.cmpi eq, %select_n3A_553, %iota3A_554 : vector<8x1024xi32>
    %jit3A_556 = arith.constant 0.000000e+00 : f32
    %broadcast_in_dim3A_557 = vector.broadcast %jit3A_556 : f32 to vector<8x1024xf32>
    %select_n3A_558 = arith.select %eq3A_555, %concatenate3A_521, %broadcast_in_dim3A_557 : vector<8x1024xi1>, vector<8x1024xf32>
    %dot_general3A_559 = arith.constant dense<0.000000e+00> : vector<8x128xf32>
    %dot_general3A_560 = tpu.matmul %select_n3A_558, %reshape3A_520, %dot_general3A_559 {dimension_numbers = #tpu.dot_dimension_numbers<[1], [0], [0], [1], [0, 0, 1, 1], [], []>, transpose_lhs_hint = false} : vector<8x1024xf32>, vector<1024x128xf32>, vector<8x128xf32> -> vector<8x128xf32>
    %get3A_561 = arith.constant 96 : index
    %get3A_562 = arith.constant 0 : index
    %get3A_563 = vector.load %arg1[%get3A_561, %get3A_562] : memref<200x128xf32, #tpu.memory_space<vmem>>, vector<8x128xf32>
    %get3A_564 = arith.constant 96 : index
    %get3A_565 = arith.constant 0 : index
    %get3A_566 = arith.constant 0 : index
    %get3A_567 = vector.load %arg2[%get3A_564, %get3A_565, %get3A_566] : memref<200x128x128xf32, #tpu.memory_space<vmem>>, vector<8x128x128xf32>
    %reshape3A_568 = vector.shape_cast %get3A_567 : vector<8x128x128xf32> to vector<1024x128xf32>
    %concatenate3A_569 = tpu.concatenate %get3A_563, %get3A_563, %get3A_563, %get3A_563, %get3A_563, %get3A_563, %get3A_563, %get3A_563 in 1 : vector<8x128xf32>, vector<8x128xf32>, vector<8x128xf32>, vector<8x128xf32>, vector<8x128xf32>, vector<8x128xf32>, vector<8x128xf32>, vector<8x128xf32> -> vector<8x1024xf32>
    %iota3A_570 = tpu.iota {dimensions = array<i32: 1>} : vector<8x1024xi32>
    %jit3A_571 = arith.constant 128 : i32
    %div3A_572 = vector.broadcast %jit3A_571 : i32 to vector<8x1024xi32>
    %div3A_573 = arith.divsi %iota3A_570, %div3A_572 : vector<8x1024xi32>
    %sign3A_574 = arith.constant 0 : i32
    %sign3A_575 = vector.broadcast %sign3A_574 : i32 to vector<8x1024xi32>
    %sign3A_576 = arith.cmpi sgt, %iota3A_570, %sign3A_575 : vector<8x1024xi32>
    %sign3A_577 = arith.extui %sign3A_576 : vector<8x1024xi1> to vector<8x1024xi32>
    %sign3A_578 = arith.constant 0 : i32
    %sign3A_579 = vector.broadcast %sign3A_578 : i32 to vector<8x1024xi32>
    %sign3A_580 = arith.cmpi slt, %iota3A_570, %sign3A_579 : vector<8x1024xi32>
    %sign3A_581 = arith.extui %sign3A_580 : vector<8x1024xi1> to vector<8x1024xi32>
    %sign3A_582 = arith.subi %sign3A_577, %sign3A_581 : vector<8x1024xi32>
    %sign3A_583 = arith.constant 0 : i32
    %sign3A_584 = arith.cmpi sgt, %jit3A_571, %sign3A_583 : i32
    %sign3A_585 = arith.extui %sign3A_584 : i1 to i32
    %sign3A_586 = arith.constant 0 : i32
    %sign3A_587 = arith.cmpi slt, %jit3A_571, %sign3A_586 : i32
    %sign3A_588 = arith.extui %sign3A_587 : i1 to i32
    %sign3A_589 = arith.subi %sign3A_585, %sign3A_588 : i32
    %ne3A_590 = vector.broadcast %sign3A_589 : i32 to vector<8x1024xi32>
    %ne3A_591 = arith.cmpi ne, %sign3A_582, %ne3A_590 : vector<8x1024xi32>
    %rem3A_592 = vector.broadcast %jit3A_571 : i32 to vector<8x1024xi32>
    %rem3A_593 = arith.remsi %iota3A_570, %rem3A_592 : vector<8x1024xi32>
    %ne3A_594 = arith.constant 0 : i32
    %ne3A_595 = vector.broadcast %ne3A_594 : i32 to vector<8x1024xi32>
    %ne3A_596 = arith.cmpi ne, %rem3A_593, %ne3A_595 : vector<8x1024xi32>
    %and3A_597 = arith.andi %ne3A_591, %ne3A_596 : vector<8x1024xi1>
    %sub3A_598 = arith.constant 1 : i32
    %sub3A_599 = vector.broadcast %sub3A_598 : i32 to vector<8x1024xi32>
    %sub3A_600 = arith.subi %div3A_573, %sub3A_599 : vector<8x1024xi32>
    %select_n3A_601 = arith.select %and3A_597, %sub3A_600, %div3A_573 : vector<8x1024xi1>, vector<8x1024xi32>
    %iota3A_602 = tpu.iota {dimensions = array<i32: 0>} : vector<8x1024xi32>
    %eq3A_603 = arith.cmpi eq, %select_n3A_601, %iota3A_602 : vector<8x1024xi32>
    %jit3A_604 = arith.constant 0.000000e+00 : f32
    %broadcast_in_dim3A_605 = vector.broadcast %jit3A_604 : f32 to vector<8x1024xf32>
    %select_n3A_606 = arith.select %eq3A_603, %concatenate3A_569, %broadcast_in_dim3A_605 : vector<8x1024xi1>, vector<8x1024xf32>
    %dot_general3A_607 = arith.constant dense<0.000000e+00> : vector<8x128xf32>
    %dot_general3A_608 = tpu.matmul %select_n3A_606, %reshape3A_568, %dot_general3A_607 {dimension_numbers = #tpu.dot_dimension_numbers<[1], [0], [0], [1], [0, 0, 1, 1], [], []>, transpose_lhs_hint = false} : vector<8x1024xf32>, vector<1024x128xf32>, vector<8x128xf32> -> vector<8x128xf32>
    %get3A_609 = arith.constant 104 : index
    %get3A_610 = arith.constant 0 : index
    %get3A_611 = vector.load %arg1[%get3A_609, %get3A_610] : memref<200x128xf32, #tpu.memory_space<vmem>>, vector<8x128xf32>
    %get3A_612 = arith.constant 104 : index
    %get3A_613 = arith.constant 0 : index
    %get3A_614 = arith.constant 0 : index
    %get3A_615 = vector.load %arg2[%get3A_612, %get3A_613, %get3A_614] : memref<200x128x128xf32, #tpu.memory_space<vmem>>, vector<8x128x128xf32>
    %reshape3A_616 = vector.shape_cast %get3A_615 : vector<8x128x128xf32> to vector<1024x128xf32>
    %concatenate3A_617 = tpu.concatenate %get3A_611, %get3A_611, %get3A_611, %get3A_611, %get3A_611, %get3A_611, %get3A_611, %get3A_611 in 1 : vector<8x128xf32>, vector<8x128xf32>, vector<8x128xf32>, vector<8x128xf32>, vector<8x128xf32>, vector<8x128xf32>, vector<8x128xf32>, vector<8x128xf32> -> vector<8x1024xf32>
    %iota3A_618 = tpu.iota {dimensions = array<i32: 1>} : vector<8x1024xi32>
    %jit3A_619 = arith.constant 128 : i32
    %div3A_620 = vector.broadcast %jit3A_619 : i32 to vector<8x1024xi32>
    %div3A_621 = arith.divsi %iota3A_618, %div3A_620 : vector<8x1024xi32>
    %sign3A_622 = arith.constant 0 : i32
    %sign3A_623 = vector.broadcast %sign3A_622 : i32 to vector<8x1024xi32>
    %sign3A_624 = arith.cmpi sgt, %iota3A_618, %sign3A_623 : vector<8x1024xi32>
    %sign3A_625 = arith.extui %sign3A_624 : vector<8x1024xi1> to vector<8x1024xi32>
    %sign3A_626 = arith.constant 0 : i32
    %sign3A_627 = vector.broadcast %sign3A_626 : i32 to vector<8x1024xi32>
    %sign3A_628 = arith.cmpi slt, %iota3A_618, %sign3A_627 : vector<8x1024xi32>
    %sign3A_629 = arith.extui %sign3A_628 : vector<8x1024xi1> to vector<8x1024xi32>
    %sign3A_630 = arith.subi %sign3A_625, %sign3A_629 : vector<8x1024xi32>
    %sign3A_631 = arith.constant 0 : i32
    %sign3A_632 = arith.cmpi sgt, %jit3A_619, %sign3A_631 : i32
    %sign3A_633 = arith.extui %sign3A_632 : i1 to i32
    %sign3A_634 = arith.constant 0 : i32
    %sign3A_635 = arith.cmpi slt, %jit3A_619, %sign3A_634 : i32
    %sign3A_636 = arith.extui %sign3A_635 : i1 to i32
    %sign3A_637 = arith.subi %sign3A_633, %sign3A_636 : i32
    %ne3A_638 = vector.broadcast %sign3A_637 : i32 to vector<8x1024xi32>
    %ne3A_639 = arith.cmpi ne, %sign3A_630, %ne3A_638 : vector<8x1024xi32>
    %rem3A_640 = vector.broadcast %jit3A_619 : i32 to vector<8x1024xi32>
    %rem3A_641 = arith.remsi %iota3A_618, %rem3A_640 : vector<8x1024xi32>
    %ne3A_642 = arith.constant 0 : i32
    %ne3A_643 = vector.broadcast %ne3A_642 : i32 to vector<8x1024xi32>
    %ne3A_644 = arith.cmpi ne, %rem3A_641, %ne3A_643 : vector<8x1024xi32>
    %and3A_645 = arith.andi %ne3A_639, %ne3A_644 : vector<8x1024xi1>
    %sub3A_646 = arith.constant 1 : i32
    %sub3A_647 = vector.broadcast %sub3A_646 : i32 to vector<8x1024xi32>
    %sub3A_648 = arith.subi %div3A_621, %sub3A_647 : vector<8x1024xi32>
    %select_n3A_649 = arith.select %and3A_645, %sub3A_648, %div3A_621 : vector<8x1024xi1>, vector<8x1024xi32>
    %iota3A_650 = tpu.iota {dimensions = array<i32: 0>} : vector<8x1024xi32>
    %eq3A_651 = arith.cmpi eq, %select_n3A_649, %iota3A_650 : vector<8x1024xi32>
    %jit3A_652 = arith.constant 0.000000e+00 : f32
    %broadcast_in_dim3A_653 = vector.broadcast %jit3A_652 : f32 to vector<8x1024xf32>
    %select_n3A_654 = arith.select %eq3A_651, %concatenate3A_617, %broadcast_in_dim3A_653 : vector<8x1024xi1>, vector<8x1024xf32>
    %dot_general3A_655 = arith.constant dense<0.000000e+00> : vector<8x128xf32>
    %dot_general3A_656 = tpu.matmul %select_n3A_654, %reshape3A_616, %dot_general3A_655 {dimension_numbers = #tpu.dot_dimension_numbers<[1], [0], [0], [1], [0, 0, 1, 1], [], []>, transpose_lhs_hint = false} : vector<8x1024xf32>, vector<1024x128xf32>, vector<8x128xf32> -> vector<8x128xf32>
    %get3A_657 = arith.constant 112 : index
    %get3A_658 = arith.constant 0 : index
    %get3A_659 = vector.load %arg1[%get3A_657, %get3A_658] : memref<200x128xf32, #tpu.memory_space<vmem>>, vector<8x128xf32>
    %get3A_660 = arith.constant 112 : index
    %get3A_661 = arith.constant 0 : index
    %get3A_662 = arith.constant 0 : index
    %get3A_663 = vector.load %arg2[%get3A_660, %get3A_661, %get3A_662] : memref<200x128x128xf32, #tpu.memory_space<vmem>>, vector<8x128x128xf32>
    %reshape3A_664 = vector.shape_cast %get3A_663 : vector<8x128x128xf32> to vector<1024x128xf32>
    %concatenate3A_665 = tpu.concatenate %get3A_659, %get3A_659, %get3A_659, %get3A_659, %get3A_659, %get3A_659, %get3A_659, %get3A_659 in 1 : vector<8x128xf32>, vector<8x128xf32>, vector<8x128xf32>, vector<8x128xf32>, vector<8x128xf32>, vector<8x128xf32>, vector<8x128xf32>, vector<8x128xf32> -> vector<8x1024xf32>
    %iota3A_666 = tpu.iota {dimensions = array<i32: 1>} : vector<8x1024xi32>
    %jit3A_667 = arith.constant 128 : i32
    %div3A_668 = vector.broadcast %jit3A_667 : i32 to vector<8x1024xi32>
    %div3A_669 = arith.divsi %iota3A_666, %div3A_668 : vector<8x1024xi32>
    %sign3A_670 = arith.constant 0 : i32
    %sign3A_671 = vector.broadcast %sign3A_670 : i32 to vector<8x1024xi32>
    %sign3A_672 = arith.cmpi sgt, %iota3A_666, %sign3A_671 : vector<8x1024xi32>
    %sign3A_673 = arith.extui %sign3A_672 : vector<8x1024xi1> to vector<8x1024xi32>
    %sign3A_674 = arith.constant 0 : i32
    %sign3A_675 = vector.broadcast %sign3A_674 : i32 to vector<8x1024xi32>
    %sign3A_676 = arith.cmpi slt, %iota3A_666, %sign3A_675 : vector<8x1024xi32>
    %sign3A_677 = arith.extui %sign3A_676 : vector<8x1024xi1> to vector<8x1024xi32>
    %sign3A_678 = arith.subi %sign3A_673, %sign3A_677 : vector<8x1024xi32>
    %sign3A_679 = arith.constant 0 : i32
    %sign3A_680 = arith.cmpi sgt, %jit3A_667, %sign3A_679 : i32
    %sign3A_681 = arith.extui %sign3A_680 : i1 to i32
    %sign3A_682 = arith.constant 0 : i32
    %sign3A_683 = arith.cmpi slt, %jit3A_667, %sign3A_682 : i32
    %sign3A_684 = arith.extui %sign3A_683 : i1 to i32
    %sign3A_685 = arith.subi %sign3A_681, %sign3A_684 : i32
    %ne3A_686 = vector.broadcast %sign3A_685 : i32 to vector<8x1024xi32>
    %ne3A_687 = arith.cmpi ne, %sign3A_678, %ne3A_686 : vector<8x1024xi32>
    %rem3A_688 = vector.broadcast %jit3A_667 : i32 to vector<8x1024xi32>
    %rem3A_689 = arith.remsi %iota3A_666, %rem3A_688 : vector<8x1024xi32>
    %ne3A_690 = arith.constant 0 : i32
    %ne3A_691 = vector.broadcast %ne3A_690 : i32 to vector<8x1024xi32>
    %ne3A_692 = arith.cmpi ne, %rem3A_689, %ne3A_691 : vector<8x1024xi32>
    %and3A_693 = arith.andi %ne3A_687, %ne3A_692 : vector<8x1024xi1>
    %sub3A_694 = arith.constant 1 : i32
    %sub3A_695 = vector.broadcast %sub3A_694 : i32 to vector<8x1024xi32>
    %sub3A_696 = arith.subi %div3A_669, %sub3A_695 : vector<8x1024xi32>
    %select_n3A_697 = arith.select %and3A_693, %sub3A_696, %div3A_669 : vector<8x1024xi1>, vector<8x1024xi32>
    %iota3A_698 = tpu.iota {dimensions = array<i32: 0>} : vector<8x1024xi32>
    %eq3A_699 = arith.cmpi eq, %select_n3A_697, %iota3A_698 : vector<8x1024xi32>
    %jit3A_700 = arith.constant 0.000000e+00 : f32
    %broadcast_in_dim3A_701 = vector.broadcast %jit3A_700 : f32 to vector<8x1024xf32>
    %select_n3A_702 = arith.select %eq3A_699, %concatenate3A_665, %broadcast_in_dim3A_701 : vector<8x1024xi1>, vector<8x1024xf32>
    %dot_general3A_703 = arith.constant dense<0.000000e+00> : vector<8x128xf32>
    %dot_general3A_704 = tpu.matmul %select_n3A_702, %reshape3A_664, %dot_general3A_703 {dimension_numbers = #tpu.dot_dimension_numbers<[1], [0], [0], [1], [0, 0, 1, 1], [], []>, transpose_lhs_hint = false} : vector<8x1024xf32>, vector<1024x128xf32>, vector<8x128xf32> -> vector<8x128xf32>
    %get3A_705 = arith.constant 120 : index
    %get3A_706 = arith.constant 0 : index
    %get3A_707 = vector.load %arg1[%get3A_705, %get3A_706] : memref<200x128xf32, #tpu.memory_space<vmem>>, vector<8x128xf32>
    %get3A_708 = arith.constant 120 : index
    %get3A_709 = arith.constant 0 : index
    %get3A_710 = arith.constant 0 : index
    %get3A_711 = vector.load %arg2[%get3A_708, %get3A_709, %get3A_710] : memref<200x128x128xf32, #tpu.memory_space<vmem>>, vector<8x128x128xf32>
    %reshape3A_712 = vector.shape_cast %get3A_711 : vector<8x128x128xf32> to vector<1024x128xf32>
    %concatenate3A_713 = tpu.concatenate %get3A_707, %get3A_707, %get3A_707, %get3A_707, %get3A_707, %get3A_707, %get3A_707, %get3A_707 in 1 : vector<8x128xf32>, vector<8x128xf32>, vector<8x128xf32>, vector<8x128xf32>, vector<8x128xf32>, vector<8x128xf32>, vector<8x128xf32>, vector<8x128xf32> -> vector<8x1024xf32>
    %iota3A_714 = tpu.iota {dimensions = array<i32: 1>} : vector<8x1024xi32>
    %jit3A_715 = arith.constant 128 : i32
    %div3A_716 = vector.broadcast %jit3A_715 : i32 to vector<8x1024xi32>
    %div3A_717 = arith.divsi %iota3A_714, %div3A_716 : vector<8x1024xi32>
    %sign3A_718 = arith.constant 0 : i32
    %sign3A_719 = vector.broadcast %sign3A_718 : i32 to vector<8x1024xi32>
    %sign3A_720 = arith.cmpi sgt, %iota3A_714, %sign3A_719 : vector<8x1024xi32>
    %sign3A_721 = arith.extui %sign3A_720 : vector<8x1024xi1> to vector<8x1024xi32>
    %sign3A_722 = arith.constant 0 : i32
    %sign3A_723 = vector.broadcast %sign3A_722 : i32 to vector<8x1024xi32>
    %sign3A_724 = arith.cmpi slt, %iota3A_714, %sign3A_723 : vector<8x1024xi32>
    %sign3A_725 = arith.extui %sign3A_724 : vector<8x1024xi1> to vector<8x1024xi32>
    %sign3A_726 = arith.subi %sign3A_721, %sign3A_725 : vector<8x1024xi32>
    %sign3A_727 = arith.constant 0 : i32
    %sign3A_728 = arith.cmpi sgt, %jit3A_715, %sign3A_727 : i32
    %sign3A_729 = arith.extui %sign3A_728 : i1 to i32
    %sign3A_730 = arith.constant 0 : i32
    %sign3A_731 = arith.cmpi slt, %jit3A_715, %sign3A_730 : i32
    %sign3A_732 = arith.extui %sign3A_731 : i1 to i32
    %sign3A_733 = arith.subi %sign3A_729, %sign3A_732 : i32
    %ne3A_734 = vector.broadcast %sign3A_733 : i32 to vector<8x1024xi32>
    %ne3A_735 = arith.cmpi ne, %sign3A_726, %ne3A_734 : vector<8x1024xi32>
    %rem3A_736 = vector.broadcast %jit3A_715 : i32 to vector<8x1024xi32>
    %rem3A_737 = arith.remsi %iota3A_714, %rem3A_736 : vector<8x1024xi32>
    %ne3A_738 = arith.constant 0 : i32
    %ne3A_739 = vector.broadcast %ne3A_738 : i32 to vector<8x1024xi32>
    %ne3A_740 = arith.cmpi ne, %rem3A_737, %ne3A_739 : vector<8x1024xi32>
    %and3A_741 = arith.andi %ne3A_735, %ne3A_740 : vector<8x1024xi1>
    %sub3A_742 = arith.constant 1 : i32
    %sub3A_743 = vector.broadcast %sub3A_742 : i32 to vector<8x1024xi32>
    %sub3A_744 = arith.subi %div3A_717, %sub3A_743 : vector<8x1024xi32>
    %select_n3A_745 = arith.select %and3A_741, %sub3A_744, %div3A_717 : vector<8x1024xi1>, vector<8x1024xi32>
    %iota3A_746 = tpu.iota {dimensions = array<i32: 0>} : vector<8x1024xi32>
    %eq3A_747 = arith.cmpi eq, %select_n3A_745, %iota3A_746 : vector<8x1024xi32>
    %jit3A_748 = arith.constant 0.000000e+00 : f32
    %broadcast_in_dim3A_749 = vector.broadcast %jit3A_748 : f32 to vector<8x1024xf32>
    %select_n3A_750 = arith.select %eq3A_747, %concatenate3A_713, %broadcast_in_dim3A_749 : vector<8x1024xi1>, vector<8x1024xf32>
    %dot_general3A_751 = arith.constant dense<0.000000e+00> : vector<8x128xf32>
    %dot_general3A_752 = tpu.matmul %select_n3A_750, %reshape3A_712, %dot_general3A_751 {dimension_numbers = #tpu.dot_dimension_numbers<[1], [0], [0], [1], [0, 0, 1, 1], [], []>, transpose_lhs_hint = false} : vector<8x1024xf32>, vector<1024x128xf32>, vector<8x128xf32> -> vector<8x128xf32>
    %get3A_753 = arith.constant 128 : index
    %get3A_754 = arith.constant 0 : index
    %get3A_755 = vector.load %arg1[%get3A_753, %get3A_754] : memref<200x128xf32, #tpu.memory_space<vmem>>, vector<8x128xf32>
    %get3A_756 = arith.constant 128 : index
    %get3A_757 = arith.constant 0 : index
    %get3A_758 = arith.constant 0 : index
    %get3A_759 = vector.load %arg2[%get3A_756, %get3A_757, %get3A_758] : memref<200x128x128xf32, #tpu.memory_space<vmem>>, vector<8x128x128xf32>
    %reshape3A_760 = vector.shape_cast %get3A_759 : vector<8x128x128xf32> to vector<1024x128xf32>
    %concatenate3A_761 = tpu.concatenate %get3A_755, %get3A_755, %get3A_755, %get3A_755, %get3A_755, %get3A_755, %get3A_755, %get3A_755 in 1 : vector<8x128xf32>, vector<8x128xf32>, vector<8x128xf32>, vector<8x128xf32>, vector<8x128xf32>, vector<8x128xf32>, vector<8x128xf32>, vector<8x128xf32> -> vector<8x1024xf32>
    %iota3A_762 = tpu.iota {dimensions = array<i32: 1>} : vector<8x1024xi32>
    %jit3A_763 = arith.constant 128 : i32
    %div3A_764 = vector.broadcast %jit3A_763 : i32 to vector<8x1024xi32>
    %div3A_765 = arith.divsi %iota3A_762, %div3A_764 : vector<8x1024xi32>
    %sign3A_766 = arith.constant 0 : i32
    %sign3A_767 = vector.broadcast %sign3A_766 : i32 to vector<8x1024xi32>
    %sign3A_768 = arith.cmpi sgt, %iota3A_762, %sign3A_767 : vector<8x1024xi32>
    %sign3A_769 = arith.extui %sign3A_768 : vector<8x1024xi1> to vector<8x1024xi32>
    %sign3A_770 = arith.constant 0 : i32
    %sign3A_771 = vector.broadcast %sign3A_770 : i32 to vector<8x1024xi32>
    %sign3A_772 = arith.cmpi slt, %iota3A_762, %sign3A_771 : vector<8x1024xi32>
    %sign3A_773 = arith.extui %sign3A_772 : vector<8x1024xi1> to vector<8x1024xi32>
    %sign3A_774 = arith.subi %sign3A_769, %sign3A_773 : vector<8x1024xi32>
    %sign3A_775 = arith.constant 0 : i32
    %sign3A_776 = arith.cmpi sgt, %jit3A_763, %sign3A_775 : i32
    %sign3A_777 = arith.extui %sign3A_776 : i1 to i32
    %sign3A_778 = arith.constant 0 : i32
    %sign3A_779 = arith.cmpi slt, %jit3A_763, %sign3A_778 : i32
    %sign3A_780 = arith.extui %sign3A_779 : i1 to i32
    %sign3A_781 = arith.subi %sign3A_777, %sign3A_780 : i32
    %ne3A_782 = vector.broadcast %sign3A_781 : i32 to vector<8x1024xi32>
    %ne3A_783 = arith.cmpi ne, %sign3A_774, %ne3A_782 : vector<8x1024xi32>
    %rem3A_784 = vector.broadcast %jit3A_763 : i32 to vector<8x1024xi32>
    %rem3A_785 = arith.remsi %iota3A_762, %rem3A_784 : vector<8x1024xi32>
    %ne3A_786 = arith.constant 0 : i32
    %ne3A_787 = vector.broadcast %ne3A_786 : i32 to vector<8x1024xi32>
    %ne3A_788 = arith.cmpi ne, %rem3A_785, %ne3A_787 : vector<8x1024xi32>
    %and3A_789 = arith.andi %ne3A_783, %ne3A_788 : vector<8x1024xi1>
    %sub3A_790 = arith.constant 1 : i32
    %sub3A_791 = vector.broadcast %sub3A_790 : i32 to vector<8x1024xi32>
    %sub3A_792 = arith.subi %div3A_765, %sub3A_791 : vector<8x1024xi32>
    %select_n3A_793 = arith.select %and3A_789, %sub3A_792, %div3A_765 : vector<8x1024xi1>, vector<8x1024xi32>
    %iota3A_794 = tpu.iota {dimensions = array<i32: 0>} : vector<8x1024xi32>
    %eq3A_795 = arith.cmpi eq, %select_n3A_793, %iota3A_794 : vector<8x1024xi32>
    %jit3A_796 = arith.constant 0.000000e+00 : f32
    %broadcast_in_dim3A_797 = vector.broadcast %jit3A_796 : f32 to vector<8x1024xf32>
    %select_n3A_798 = arith.select %eq3A_795, %concatenate3A_761, %broadcast_in_dim3A_797 : vector<8x1024xi1>, vector<8x1024xf32>
    %dot_general3A_799 = arith.constant dense<0.000000e+00> : vector<8x128xf32>
    %dot_general3A_800 = tpu.matmul %select_n3A_798, %reshape3A_760, %dot_general3A_799 {dimension_numbers = #tpu.dot_dimension_numbers<[1], [0], [0], [1], [0, 0, 1, 1], [], []>, transpose_lhs_hint = false} : vector<8x1024xf32>, vector<1024x128xf32>, vector<8x128xf32> -> vector<8x128xf32>
    %get3A_801 = arith.constant 136 : index
    %get3A_802 = arith.constant 0 : index
    %get3A_803 = vector.load %arg1[%get3A_801, %get3A_802] : memref<200x128xf32, #tpu.memory_space<vmem>>, vector<8x128xf32>
    %get3A_804 = arith.constant 136 : index
    %get3A_805 = arith.constant 0 : index
    %get3A_806 = arith.constant 0 : index
    %get3A_807 = vector.load %arg2[%get3A_804, %get3A_805, %get3A_806] : memref<200x128x128xf32, #tpu.memory_space<vmem>>, vector<8x128x128xf32>
    %reshape3A_808 = vector.shape_cast %get3A_807 : vector<8x128x128xf32> to vector<1024x128xf32>
    %concatenate3A_809 = tpu.concatenate %get3A_803, %get3A_803, %get3A_803, %get3A_803, %get3A_803, %get3A_803, %get3A_803, %get3A_803 in 1 : vector<8x128xf32>, vector<8x128xf32>, vector<8x128xf32>, vector<8x128xf32>, vector<8x128xf32>, vector<8x128xf32>, vector<8x128xf32>, vector<8x128xf32> -> vector<8x1024xf32>
    %iota3A_810 = tpu.iota {dimensions = array<i32: 1>} : vector<8x1024xi32>
    %jit3A_811 = arith.constant 128 : i32
    %div3A_812 = vector.broadcast %jit3A_811 : i32 to vector<8x1024xi32>
    %div3A_813 = arith.divsi %iota3A_810, %div3A_812 : vector<8x1024xi32>
    %sign3A_814 = arith.constant 0 : i32
    %sign3A_815 = vector.broadcast %sign3A_814 : i32 to vector<8x1024xi32>
    %sign3A_816 = arith.cmpi sgt, %iota3A_810, %sign3A_815 : vector<8x1024xi32>
    %sign3A_817 = arith.extui %sign3A_816 : vector<8x1024xi1> to vector<8x1024xi32>
    %sign3A_818 = arith.constant 0 : i32
    %sign3A_819 = vector.broadcast %sign3A_818 : i32 to vector<8x1024xi32>
    %sign3A_820 = arith.cmpi slt, %iota3A_810, %sign3A_819 : vector<8x1024xi32>
    %sign3A_821 = arith.extui %sign3A_820 : vector<8x1024xi1> to vector<8x1024xi32>
    %sign3A_822 = arith.subi %sign3A_817, %sign3A_821 : vector<8x1024xi32>
    %sign3A_823 = arith.constant 0 : i32
    %sign3A_824 = arith.cmpi sgt, %jit3A_811, %sign3A_823 : i32
    %sign3A_825 = arith.extui %sign3A_824 : i1 to i32
    %sign3A_826 = arith.constant 0 : i32
    %sign3A_827 = arith.cmpi slt, %jit3A_811, %sign3A_826 : i32
    %sign3A_828 = arith.extui %sign3A_827 : i1 to i32
    %sign3A_829 = arith.subi %sign3A_825, %sign3A_828 : i32
    %ne3A_830 = vector.broadcast %sign3A_829 : i32 to vector<8x1024xi32>
    %ne3A_831 = arith.cmpi ne, %sign3A_822, %ne3A_830 : vector<8x1024xi32>
    %rem3A_832 = vector.broadcast %jit3A_811 : i32 to vector<8x1024xi32>
    %rem3A_833 = arith.remsi %iota3A_810, %rem3A_832 : vector<8x1024xi32>
    %ne3A_834 = arith.constant 0 : i32
    %ne3A_835 = vector.broadcast %ne3A_834 : i32 to vector<8x1024xi32>
    %ne3A_836 = arith.cmpi ne, %rem3A_833, %ne3A_835 : vector<8x1024xi32>
    %and3A_837 = arith.andi %ne3A_831, %ne3A_836 : vector<8x1024xi1>
    %sub3A_838 = arith.constant 1 : i32
    %sub3A_839 = vector.broadcast %sub3A_838 : i32 to vector<8x1024xi32>
    %sub3A_840 = arith.subi %div3A_813, %sub3A_839 : vector<8x1024xi32>
    %select_n3A_841 = arith.select %and3A_837, %sub3A_840, %div3A_813 : vector<8x1024xi1>, vector<8x1024xi32>
    %iota3A_842 = tpu.iota {dimensions = array<i32: 0>} : vector<8x1024xi32>
    %eq3A_843 = arith.cmpi eq, %select_n3A_841, %iota3A_842 : vector<8x1024xi32>
    %jit3A_844 = arith.constant 0.000000e+00 : f32
    %broadcast_in_dim3A_845 = vector.broadcast %jit3A_844 : f32 to vector<8x1024xf32>
    %select_n3A_846 = arith.select %eq3A_843, %concatenate3A_809, %broadcast_in_dim3A_845 : vector<8x1024xi1>, vector<8x1024xf32>
    %dot_general3A_847 = arith.constant dense<0.000000e+00> : vector<8x128xf32>
    %dot_general3A_848 = tpu.matmul %select_n3A_846, %reshape3A_808, %dot_general3A_847 {dimension_numbers = #tpu.dot_dimension_numbers<[1], [0], [0], [1], [0, 0, 1, 1], [], []>, transpose_lhs_hint = false} : vector<8x1024xf32>, vector<1024x128xf32>, vector<8x128xf32> -> vector<8x128xf32>
    %get3A_849 = arith.constant 144 : index
    %get3A_850 = arith.constant 0 : index
    %get3A_851 = vector.load %arg1[%get3A_849, %get3A_850] : memref<200x128xf32, #tpu.memory_space<vmem>>, vector<8x128xf32>
    %get3A_852 = arith.constant 144 : index
    %get3A_853 = arith.constant 0 : index
    %get3A_854 = arith.constant 0 : index
    %get3A_855 = vector.load %arg2[%get3A_852, %get3A_853, %get3A_854] : memref<200x128x128xf32, #tpu.memory_space<vmem>>, vector<8x128x128xf32>
    %reshape3A_856 = vector.shape_cast %get3A_855 : vector<8x128x128xf32> to vector<1024x128xf32>
    %concatenate3A_857 = tpu.concatenate %get3A_851, %get3A_851, %get3A_851, %get3A_851, %get3A_851, %get3A_851, %get3A_851, %get3A_851 in 1 : vector<8x128xf32>, vector<8x128xf32>, vector<8x128xf32>, vector<8x128xf32>, vector<8x128xf32>, vector<8x128xf32>, vector<8x128xf32>, vector<8x128xf32> -> vector<8x1024xf32>
    %iota3A_858 = tpu.iota {dimensions = array<i32: 1>} : vector<8x1024xi32>
    %jit3A_859 = arith.constant 128 : i32
    %div3A_860 = vector.broadcast %jit3A_859 : i32 to vector<8x1024xi32>
    %div3A_861 = arith.divsi %iota3A_858, %div3A_860 : vector<8x1024xi32>
    %sign3A_862 = arith.constant 0 : i32
    %sign3A_863 = vector.broadcast %sign3A_862 : i32 to vector<8x1024xi32>
    %sign3A_864 = arith.cmpi sgt, %iota3A_858, %sign3A_863 : vector<8x1024xi32>
    %sign3A_865 = arith.extui %sign3A_864 : vector<8x1024xi1> to vector<8x1024xi32>
    %sign3A_866 = arith.constant 0 : i32
    %sign3A_867 = vector.broadcast %sign3A_866 : i32 to vector<8x1024xi32>
    %sign3A_868 = arith.cmpi slt, %iota3A_858, %sign3A_867 : vector<8x1024xi32>
    %sign3A_869 = arith.extui %sign3A_868 : vector<8x1024xi1> to vector<8x1024xi32>
    %sign3A_870 = arith.subi %sign3A_865, %sign3A_869 : vector<8x1024xi32>
    %sign3A_871 = arith.constant 0 : i32
    %sign3A_872 = arith.cmpi sgt, %jit3A_859, %sign3A_871 : i32
    %sign3A_873 = arith.extui %sign3A_872 : i1 to i32
    %sign3A_874 = arith.constant 0 : i32
    %sign3A_875 = arith.cmpi slt, %jit3A_859, %sign3A_874 : i32
    %sign3A_876 = arith.extui %sign3A_875 : i1 to i32
    %sign3A_877 = arith.subi %sign3A_873, %sign3A_876 : i32
    %ne3A_878 = vector.broadcast %sign3A_877 : i32 to vector<8x1024xi32>
    %ne3A_879 = arith.cmpi ne, %sign3A_870, %ne3A_878 : vector<8x1024xi32>
    %rem3A_880 = vector.broadcast %jit3A_859 : i32 to vector<8x1024xi32>
    %rem3A_881 = arith.remsi %iota3A_858, %rem3A_880 : vector<8x1024xi32>
    %ne3A_882 = arith.constant 0 : i32
    %ne3A_883 = vector.broadcast %ne3A_882 : i32 to vector<8x1024xi32>
    %ne3A_884 = arith.cmpi ne, %rem3A_881, %ne3A_883 : vector<8x1024xi32>
    %and3A_885 = arith.andi %ne3A_879, %ne3A_884 : vector<8x1024xi1>
    %sub3A_886 = arith.constant 1 : i32
    %sub3A_887 = vector.broadcast %sub3A_886 : i32 to vector<8x1024xi32>
    %sub3A_888 = arith.subi %div3A_861, %sub3A_887 : vector<8x1024xi32>
    %select_n3A_889 = arith.select %and3A_885, %sub3A_888, %div3A_861 : vector<8x1024xi1>, vector<8x1024xi32>
    %iota3A_890 = tpu.iota {dimensions = array<i32: 0>} : vector<8x1024xi32>
    %eq3A_891 = arith.cmpi eq, %select_n3A_889, %iota3A_890 : vector<8x1024xi32>
    %jit3A_892 = arith.constant 0.000000e+00 : f32
    %broadcast_in_dim3A_893 = vector.broadcast %jit3A_892 : f32 to vector<8x1024xf32>
    %select_n3A_894 = arith.select %eq3A_891, %concatenate3A_857, %broadcast_in_dim3A_893 : vector<8x1024xi1>, vector<8x1024xf32>
    %dot_general3A_895 = arith.constant dense<0.000000e+00> : vector<8x128xf32>
    %dot_general3A_896 = tpu.matmul %select_n3A_894, %reshape3A_856, %dot_general3A_895 {dimension_numbers = #tpu.dot_dimension_numbers<[1], [0], [0], [1], [0, 0, 1, 1], [], []>, transpose_lhs_hint = false} : vector<8x1024xf32>, vector<1024x128xf32>, vector<8x128xf32> -> vector<8x128xf32>
    %get3A_897 = arith.constant 152 : index
    %get3A_898 = arith.constant 0 : index
    %get3A_899 = vector.load %arg1[%get3A_897, %get3A_898] : memref<200x128xf32, #tpu.memory_space<vmem>>, vector<8x128xf32>
    %get3A_900 = arith.constant 152 : index
    %get3A_901 = arith.constant 0 : index
    %get3A_902 = arith.constant 0 : index
    %get3A_903 = vector.load %arg2[%get3A_900, %get3A_901, %get3A_902] : memref<200x128x128xf32, #tpu.memory_space<vmem>>, vector<8x128x128xf32>
    %reshape3A_904 = vector.shape_cast %get3A_903 : vector<8x128x128xf32> to vector<1024x128xf32>
    %concatenate3A_905 = tpu.concatenate %get3A_899, %get3A_899, %get3A_899, %get3A_899, %get3A_899, %get3A_899, %get3A_899, %get3A_899 in 1 : vector<8x128xf32>, vector<8x128xf32>, vector<8x128xf32>, vector<8x128xf32>, vector<8x128xf32>, vector<8x128xf32>, vector<8x128xf32>, vector<8x128xf32> -> vector<8x1024xf32>
    %iota3A_906 = tpu.iota {dimensions = array<i32: 1>} : vector<8x1024xi32>
    %jit3A_907 = arith.constant 128 : i32
    %div3A_908 = vector.broadcast %jit3A_907 : i32 to vector<8x1024xi32>
    %div3A_909 = arith.divsi %iota3A_906, %div3A_908 : vector<8x1024xi32>
    %sign3A_910 = arith.constant 0 : i32
    %sign3A_911 = vector.broadcast %sign3A_910 : i32 to vector<8x1024xi32>
    %sign3A_912 = arith.cmpi sgt, %iota3A_906, %sign3A_911 : vector<8x1024xi32>
    %sign3A_913 = arith.extui %sign3A_912 : vector<8x1024xi1> to vector<8x1024xi32>
    %sign3A_914 = arith.constant 0 : i32
    %sign3A_915 = vector.broadcast %sign3A_914 : i32 to vector<8x1024xi32>
    %sign3A_916 = arith.cmpi slt, %iota3A_906, %sign3A_915 : vector<8x1024xi32>
    %sign3A_917 = arith.extui %sign3A_916 : vector<8x1024xi1> to vector<8x1024xi32>
    %sign3A_918 = arith.subi %sign3A_913, %sign3A_917 : vector<8x1024xi32>
    %sign3A_919 = arith.constant 0 : i32
    %sign3A_920 = arith.cmpi sgt, %jit3A_907, %sign3A_919 : i32
    %sign3A_921 = arith.extui %sign3A_920 : i1 to i32
    %sign3A_922 = arith.constant 0 : i32
    %sign3A_923 = arith.cmpi slt, %jit3A_907, %sign3A_922 : i32
    %sign3A_924 = arith.extui %sign3A_923 : i1 to i32
    %sign3A_925 = arith.subi %sign3A_921, %sign3A_924 : i32
    %ne3A_926 = vector.broadcast %sign3A_925 : i32 to vector<8x1024xi32>
    %ne3A_927 = arith.cmpi ne, %sign3A_918, %ne3A_926 : vector<8x1024xi32>
    %rem3A_928 = vector.broadcast %jit3A_907 : i32 to vector<8x1024xi32>
    %rem3A_929 = arith.remsi %iota3A_906, %rem3A_928 : vector<8x1024xi32>
    %ne3A_930 = arith.constant 0 : i32
    %ne3A_931 = vector.broadcast %ne3A_930 : i32 to vector<8x1024xi32>
    %ne3A_932 = arith.cmpi ne, %rem3A_929, %ne3A_931 : vector<8x1024xi32>
    %and3A_933 = arith.andi %ne3A_927, %ne3A_932 : vector<8x1024xi1>
    %sub3A_934 = arith.constant 1 : i32
    %sub3A_935 = vector.broadcast %sub3A_934 : i32 to vector<8x1024xi32>
    %sub3A_936 = arith.subi %div3A_909, %sub3A_935 : vector<8x1024xi32>
    %select_n3A_937 = arith.select %and3A_933, %sub3A_936, %div3A_909 : vector<8x1024xi1>, vector<8x1024xi32>
    %iota3A_938 = tpu.iota {dimensions = array<i32: 0>} : vector<8x1024xi32>
    %eq3A_939 = arith.cmpi eq, %select_n3A_937, %iota3A_938 : vector<8x1024xi32>
    %jit3A_940 = arith.constant 0.000000e+00 : f32
    %broadcast_in_dim3A_941 = vector.broadcast %jit3A_940 : f32 to vector<8x1024xf32>
    %select_n3A_942 = arith.select %eq3A_939, %concatenate3A_905, %broadcast_in_dim3A_941 : vector<8x1024xi1>, vector<8x1024xf32>
    %dot_general3A_943 = arith.constant dense<0.000000e+00> : vector<8x128xf32>
    %dot_general3A_944 = tpu.matmul %select_n3A_942, %reshape3A_904, %dot_general3A_943 {dimension_numbers = #tpu.dot_dimension_numbers<[1], [0], [0], [1], [0, 0, 1, 1], [], []>, transpose_lhs_hint = false} : vector<8x1024xf32>, vector<1024x128xf32>, vector<8x128xf32> -> vector<8x128xf32>
    %get3A_945 = arith.constant 160 : index
    %get3A_946 = arith.constant 0 : index
    %get3A_947 = vector.load %arg1[%get3A_945, %get3A_946] : memref<200x128xf32, #tpu.memory_space<vmem>>, vector<8x128xf32>
    %get3A_948 = arith.constant 160 : index
    %get3A_949 = arith.constant 0 : index
    %get3A_950 = arith.constant 0 : index
    %get3A_951 = vector.load %arg2[%get3A_948, %get3A_949, %get3A_950] : memref<200x128x128xf32, #tpu.memory_space<vmem>>, vector<8x128x128xf32>
    %reshape3A_952 = vector.shape_cast %get3A_951 : vector<8x128x128xf32> to vector<1024x128xf32>
    %concatenate3A_953 = tpu.concatenate %get3A_947, %get3A_947, %get3A_947, %get3A_947, %get3A_947, %get3A_947, %get3A_947, %get3A_947 in 1 : vector<8x128xf32>, vector<8x128xf32>, vector<8x128xf32>, vector<8x128xf32>, vector<8x128xf32>, vector<8x128xf32>, vector<8x128xf32>, vector<8x128xf32> -> vector<8x1024xf32>
    %iota3A_954 = tpu.iota {dimensions = array<i32: 1>} : vector<8x1024xi32>
    %jit3A_955 = arith.constant 128 : i32
    %div3A_956 = vector.broadcast %jit3A_955 : i32 to vector<8x1024xi32>
    %div3A_957 = arith.divsi %iota3A_954, %div3A_956 : vector<8x1024xi32>
    %sign3A_958 = arith.constant 0 : i32
    %sign3A_959 = vector.broadcast %sign3A_958 : i32 to vector<8x1024xi32>
    %sign3A_960 = arith.cmpi sgt, %iota3A_954, %sign3A_959 : vector<8x1024xi32>
    %sign3A_961 = arith.extui %sign3A_960 : vector<8x1024xi1> to vector<8x1024xi32>
    %sign3A_962 = arith.constant 0 : i32
    %sign3A_963 = vector.broadcast %sign3A_962 : i32 to vector<8x1024xi32>
    %sign3A_964 = arith.cmpi slt, %iota3A_954, %sign3A_963 : vector<8x1024xi32>
    %sign3A_965 = arith.extui %sign3A_964 : vector<8x1024xi1> to vector<8x1024xi32>
    %sign3A_966 = arith.subi %sign3A_961, %sign3A_965 : vector<8x1024xi32>
    %sign3A_967 = arith.constant 0 : i32
    %sign3A_968 = arith.cmpi sgt, %jit3A_955, %sign3A_967 : i32
    %sign3A_969 = arith.extui %sign3A_968 : i1 to i32
    %sign3A_970 = arith.constant 0 : i32
    %sign3A_971 = arith.cmpi slt, %jit3A_955, %sign3A_970 : i32
    %sign3A_972 = arith.extui %sign3A_971 : i1 to i32
    %sign3A_973 = arith.subi %sign3A_969, %sign3A_972 : i32
    %ne3A_974 = vector.broadcast %sign3A_973 : i32 to vector<8x1024xi32>
    %ne3A_975 = arith.cmpi ne, %sign3A_966, %ne3A_974 : vector<8x1024xi32>
    %rem3A_976 = vector.broadcast %jit3A_955 : i32 to vector<8x1024xi32>
    %rem3A_977 = arith.remsi %iota3A_954, %rem3A_976 : vector<8x1024xi32>
    %ne3A_978 = arith.constant 0 : i32
    %ne3A_979 = vector.broadcast %ne3A_978 : i32 to vector<8x1024xi32>
    %ne3A_980 = arith.cmpi ne, %rem3A_977, %ne3A_979 : vector<8x1024xi32>
    %and3A_981 = arith.andi %ne3A_975, %ne3A_980 : vector<8x1024xi1>
    %sub3A_982 = arith.constant 1 : i32
    %sub3A_983 = vector.broadcast %sub3A_982 : i32 to vector<8x1024xi32>
    %sub3A_984 = arith.subi %div3A_957, %sub3A_983 : vector<8x1024xi32>
    %select_n3A_985 = arith.select %and3A_981, %sub3A_984, %div3A_957 : vector<8x1024xi1>, vector<8x1024xi32>
    %iota3A_986 = tpu.iota {dimensions = array<i32: 0>} : vector<8x1024xi32>
    %eq3A_987 = arith.cmpi eq, %select_n3A_985, %iota3A_986 : vector<8x1024xi32>
    %jit3A_988 = arith.constant 0.000000e+00 : f32
    %broadcast_in_dim3A_989 = vector.broadcast %jit3A_988 : f32 to vector<8x1024xf32>
    %select_n3A_990 = arith.select %eq3A_987, %concatenate3A_953, %broadcast_in_dim3A_989 : vector<8x1024xi1>, vector<8x1024xf32>
    %dot_general3A_991 = arith.constant dense<0.000000e+00> : vector<8x128xf32>
    %dot_general3A_992 = tpu.matmul %select_n3A_990, %reshape3A_952, %dot_general3A_991 {dimension_numbers = #tpu.dot_dimension_numbers<[1], [0], [0], [1], [0, 0, 1, 1], [], []>, transpose_lhs_hint = false} : vector<8x1024xf32>, vector<1024x128xf32>, vector<8x128xf32> -> vector<8x128xf32>
    %get3A_993 = arith.constant 168 : index
    %get3A_994 = arith.constant 0 : index
    %get3A_995 = vector.load %arg1[%get3A_993, %get3A_994] : memref<200x128xf32, #tpu.memory_space<vmem>>, vector<8x128xf32>
    %get3A_996 = arith.constant 168 : index
    %get3A_997 = arith.constant 0 : index
    %get3A_998 = arith.constant 0 : index
    %get3A_999 = vector.load %arg2[%get3A_996, %get3A_997, %get3A_998] : memref<200x128x128xf32, #tpu.memory_space<vmem>>, vector<8x128x128xf32>
    %reshape3A_1000 = vector.shape_cast %get3A_999 : vector<8x128x128xf32> to vector<1024x128xf32>
    %concatenate3A_1001 = tpu.concatenate %get3A_995, %get3A_995, %get3A_995, %get3A_995, %get3A_995, %get3A_995, %get3A_995, %get3A_995 in 1 : vector<8x128xf32>, vector<8x128xf32>, vector<8x128xf32>, vector<8x128xf32>, vector<8x128xf32>, vector<8x128xf32>, vector<8x128xf32>, vector<8x128xf32> -> vector<8x1024xf32>
    %iota3A_1002 = tpu.iota {dimensions = array<i32: 1>} : vector<8x1024xi32>
    %jit3A_1003 = arith.constant 128 : i32
    %div3A_1004 = vector.broadcast %jit3A_1003 : i32 to vector<8x1024xi32>
    %div3A_1005 = arith.divsi %iota3A_1002, %div3A_1004 : vector<8x1024xi32>
    %sign3A_1006 = arith.constant 0 : i32
    %sign3A_1007 = vector.broadcast %sign3A_1006 : i32 to vector<8x1024xi32>
    %sign3A_1008 = arith.cmpi sgt, %iota3A_1002, %sign3A_1007 : vector<8x1024xi32>
    %sign3A_1009 = arith.extui %sign3A_1008 : vector<8x1024xi1> to vector<8x1024xi32>
    %sign3A_1010 = arith.constant 0 : i32
    %sign3A_1011 = vector.broadcast %sign3A_1010 : i32 to vector<8x1024xi32>
    %sign3A_1012 = arith.cmpi slt, %iota3A_1002, %sign3A_1011 : vector<8x1024xi32>
    %sign3A_1013 = arith.extui %sign3A_1012 : vector<8x1024xi1> to vector<8x1024xi32>
    %sign3A_1014 = arith.subi %sign3A_1009, %sign3A_1013 : vector<8x1024xi32>
    %sign3A_1015 = arith.constant 0 : i32
    %sign3A_1016 = arith.cmpi sgt, %jit3A_1003, %sign3A_1015 : i32
    %sign3A_1017 = arith.extui %sign3A_1016 : i1 to i32
    %sign3A_1018 = arith.constant 0 : i32
    %sign3A_1019 = arith.cmpi slt, %jit3A_1003, %sign3A_1018 : i32
    %sign3A_1020 = arith.extui %sign3A_1019 : i1 to i32
    %sign3A_1021 = arith.subi %sign3A_1017, %sign3A_1020 : i32
    %ne3A_1022 = vector.broadcast %sign3A_1021 : i32 to vector<8x1024xi32>
    %ne3A_1023 = arith.cmpi ne, %sign3A_1014, %ne3A_1022 : vector<8x1024xi32>
    %rem3A_1024 = vector.broadcast %jit3A_1003 : i32 to vector<8x1024xi32>
    %rem3A_1025 = arith.remsi %iota3A_1002, %rem3A_1024 : vector<8x1024xi32>
    %ne3A_1026 = arith.constant 0 : i32
    %ne3A_1027 = vector.broadcast %ne3A_1026 : i32 to vector<8x1024xi32>
    %ne3A_1028 = arith.cmpi ne, %rem3A_1025, %ne3A_1027 : vector<8x1024xi32>
    %and3A_1029 = arith.andi %ne3A_1023, %ne3A_1028 : vector<8x1024xi1>
    %sub3A_1030 = arith.constant 1 : i32
    %sub3A_1031 = vector.broadcast %sub3A_1030 : i32 to vector<8x1024xi32>
    %sub3A_1032 = arith.subi %div3A_1005, %sub3A_1031 : vector<8x1024xi32>
    %select_n3A_1033 = arith.select %and3A_1029, %sub3A_1032, %div3A_1005 : vector<8x1024xi1>, vector<8x1024xi32>
    %iota3A_1034 = tpu.iota {dimensions = array<i32: 0>} : vector<8x1024xi32>
    %eq3A_1035 = arith.cmpi eq, %select_n3A_1033, %iota3A_1034 : vector<8x1024xi32>
    %jit3A_1036 = arith.constant 0.000000e+00 : f32
    %broadcast_in_dim3A_1037 = vector.broadcast %jit3A_1036 : f32 to vector<8x1024xf32>
    %select_n3A_1038 = arith.select %eq3A_1035, %concatenate3A_1001, %broadcast_in_dim3A_1037 : vector<8x1024xi1>, vector<8x1024xf32>
    %dot_general3A_1039 = arith.constant dense<0.000000e+00> : vector<8x128xf32>
    %dot_general3A_1040 = tpu.matmul %select_n3A_1038, %reshape3A_1000, %dot_general3A_1039 {dimension_numbers = #tpu.dot_dimension_numbers<[1], [0], [0], [1], [0, 0, 1, 1], [], []>, transpose_lhs_hint = false} : vector<8x1024xf32>, vector<1024x128xf32>, vector<8x128xf32> -> vector<8x128xf32>
    %get3A_1041 = arith.constant 176 : index
    %get3A_1042 = arith.constant 0 : index
    %get3A_1043 = vector.load %arg1[%get3A_1041, %get3A_1042] : memref<200x128xf32, #tpu.memory_space<vmem>>, vector<8x128xf32>
    %get3A_1044 = arith.constant 176 : index
    %get3A_1045 = arith.constant 0 : index
    %get3A_1046 = arith.constant 0 : index
    %get3A_1047 = vector.load %arg2[%get3A_1044, %get3A_1045, %get3A_1046] : memref<200x128x128xf32, #tpu.memory_space<vmem>>, vector<8x128x128xf32>
    %reshape3A_1048 = vector.shape_cast %get3A_1047 : vector<8x128x128xf32> to vector<1024x128xf32>
    %concatenate3A_1049 = tpu.concatenate %get3A_1043, %get3A_1043, %get3A_1043, %get3A_1043, %get3A_1043, %get3A_1043, %get3A_1043, %get3A_1043 in 1 : vector<8x128xf32>, vector<8x128xf32>, vector<8x128xf32>, vector<8x128xf32>, vector<8x128xf32>, vector<8x128xf32>, vector<8x128xf32>, vector<8x128xf32> -> vector<8x1024xf32>
    %iota3A_1050 = tpu.iota {dimensions = array<i32: 1>} : vector<8x1024xi32>
    %jit3A_1051 = arith.constant 128 : i32
    %div3A_1052 = vector.broadcast %jit3A_1051 : i32 to vector<8x1024xi32>
    %div3A_1053 = arith.divsi %iota3A_1050, %div3A_1052 : vector<8x1024xi32>
    %sign3A_1054 = arith.constant 0 : i32
    %sign3A_1055 = vector.broadcast %sign3A_1054 : i32 to vector<8x1024xi32>
    %sign3A_1056 = arith.cmpi sgt, %iota3A_1050, %sign3A_1055 : vector<8x1024xi32>
    %sign3A_1057 = arith.extui %sign3A_1056 : vector<8x1024xi1> to vector<8x1024xi32>
    %sign3A_1058 = arith.constant 0 : i32
    %sign3A_1059 = vector.broadcast %sign3A_1058 : i32 to vector<8x1024xi32>
    %sign3A_1060 = arith.cmpi slt, %iota3A_1050, %sign3A_1059 : vector<8x1024xi32>
    %sign3A_1061 = arith.extui %sign3A_1060 : vector<8x1024xi1> to vector<8x1024xi32>
    %sign3A_1062 = arith.subi %sign3A_1057, %sign3A_1061 : vector<8x1024xi32>
    %sign3A_1063 = arith.constant 0 : i32
    %sign3A_1064 = arith.cmpi sgt, %jit3A_1051, %sign3A_1063 : i32
    %sign3A_1065 = arith.extui %sign3A_1064 : i1 to i32
    %sign3A_1066 = arith.constant 0 : i32
    %sign3A_1067 = arith.cmpi slt, %jit3A_1051, %sign3A_1066 : i32
    %sign3A_1068 = arith.extui %sign3A_1067 : i1 to i32
    %sign3A_1069 = arith.subi %sign3A_1065, %sign3A_1068 : i32
    %ne3A_1070 = vector.broadcast %sign3A_1069 : i32 to vector<8x1024xi32>
    %ne3A_1071 = arith.cmpi ne, %sign3A_1062, %ne3A_1070 : vector<8x1024xi32>
    %rem3A_1072 = vector.broadcast %jit3A_1051 : i32 to vector<8x1024xi32>
    %rem3A_1073 = arith.remsi %iota3A_1050, %rem3A_1072 : vector<8x1024xi32>
    %ne3A_1074 = arith.constant 0 : i32
    %ne3A_1075 = vector.broadcast %ne3A_1074 : i32 to vector<8x1024xi32>
    %ne3A_1076 = arith.cmpi ne, %rem3A_1073, %ne3A_1075 : vector<8x1024xi32>
    %and3A_1077 = arith.andi %ne3A_1071, %ne3A_1076 : vector<8x1024xi1>
    %sub3A_1078 = arith.constant 1 : i32
    %sub3A_1079 = vector.broadcast %sub3A_1078 : i32 to vector<8x1024xi32>
    %sub3A_1080 = arith.subi %div3A_1053, %sub3A_1079 : vector<8x1024xi32>
    %select_n3A_1081 = arith.select %and3A_1077, %sub3A_1080, %div3A_1053 : vector<8x1024xi1>, vector<8x1024xi32>
    %iota3A_1082 = tpu.iota {dimensions = array<i32: 0>} : vector<8x1024xi32>
    %eq3A_1083 = arith.cmpi eq, %select_n3A_1081, %iota3A_1082 : vector<8x1024xi32>
    %jit3A_1084 = arith.constant 0.000000e+00 : f32
    %broadcast_in_dim3A_1085 = vector.broadcast %jit3A_1084 : f32 to vector<8x1024xf32>
    %select_n3A_1086 = arith.select %eq3A_1083, %concatenate3A_1049, %broadcast_in_dim3A_1085 : vector<8x1024xi1>, vector<8x1024xf32>
    %dot_general3A_1087 = arith.constant dense<0.000000e+00> : vector<8x128xf32>
    %dot_general3A_1088 = tpu.matmul %select_n3A_1086, %reshape3A_1048, %dot_general3A_1087 {dimension_numbers = #tpu.dot_dimension_numbers<[1], [0], [0], [1], [0, 0, 1, 1], [], []>, transpose_lhs_hint = false} : vector<8x1024xf32>, vector<1024x128xf32>, vector<8x128xf32> -> vector<8x128xf32>
    %get3A_1089 = arith.constant 184 : index
    %get3A_1090 = arith.constant 0 : index
    %get3A_1091 = vector.load %arg1[%get3A_1089, %get3A_1090] : memref<200x128xf32, #tpu.memory_space<vmem>>, vector<8x128xf32>
    %get3A_1092 = arith.constant 184 : index
    %get3A_1093 = arith.constant 0 : index
    %get3A_1094 = arith.constant 0 : index
    %get3A_1095 = vector.load %arg2[%get3A_1092, %get3A_1093, %get3A_1094] : memref<200x128x128xf32, #tpu.memory_space<vmem>>, vector<8x128x128xf32>
    %reshape3A_1096 = vector.shape_cast %get3A_1095 : vector<8x128x128xf32> to vector<1024x128xf32>
    %concatenate3A_1097 = tpu.concatenate %get3A_1091, %get3A_1091, %get3A_1091, %get3A_1091, %get3A_1091, %get3A_1091, %get3A_1091, %get3A_1091 in 1 : vector<8x128xf32>, vector<8x128xf32>, vector<8x128xf32>, vector<8x128xf32>, vector<8x128xf32>, vector<8x128xf32>, vector<8x128xf32>, vector<8x128xf32> -> vector<8x1024xf32>
    %iota3A_1098 = tpu.iota {dimensions = array<i32: 1>} : vector<8x1024xi32>
    %jit3A_1099 = arith.constant 128 : i32
    %div3A_1100 = vector.broadcast %jit3A_1099 : i32 to vector<8x1024xi32>
    %div3A_1101 = arith.divsi %iota3A_1098, %div3A_1100 : vector<8x1024xi32>
    %sign3A_1102 = arith.constant 0 : i32
    %sign3A_1103 = vector.broadcast %sign3A_1102 : i32 to vector<8x1024xi32>
    %sign3A_1104 = arith.cmpi sgt, %iota3A_1098, %sign3A_1103 : vector<8x1024xi32>
    %sign3A_1105 = arith.extui %sign3A_1104 : vector<8x1024xi1> to vector<8x1024xi32>
    %sign3A_1106 = arith.constant 0 : i32
    %sign3A_1107 = vector.broadcast %sign3A_1106 : i32 to vector<8x1024xi32>
    %sign3A_1108 = arith.cmpi slt, %iota3A_1098, %sign3A_1107 : vector<8x1024xi32>
    %sign3A_1109 = arith.extui %sign3A_1108 : vector<8x1024xi1> to vector<8x1024xi32>
    %sign3A_1110 = arith.subi %sign3A_1105, %sign3A_1109 : vector<8x1024xi32>
    %sign3A_1111 = arith.constant 0 : i32
    %sign3A_1112 = arith.cmpi sgt, %jit3A_1099, %sign3A_1111 : i32
    %sign3A_1113 = arith.extui %sign3A_1112 : i1 to i32
    %sign3A_1114 = arith.constant 0 : i32
    %sign3A_1115 = arith.cmpi slt, %jit3A_1099, %sign3A_1114 : i32
    %sign3A_1116 = arith.extui %sign3A_1115 : i1 to i32
    %sign3A_1117 = arith.subi %sign3A_1113, %sign3A_1116 : i32
    %ne3A_1118 = vector.broadcast %sign3A_1117 : i32 to vector<8x1024xi32>
    %ne3A_1119 = arith.cmpi ne, %sign3A_1110, %ne3A_1118 : vector<8x1024xi32>
    %rem3A_1120 = vector.broadcast %jit3A_1099 : i32 to vector<8x1024xi32>
    %rem3A_1121 = arith.remsi %iota3A_1098, %rem3A_1120 : vector<8x1024xi32>
    %ne3A_1122 = arith.constant 0 : i32
    %ne3A_1123 = vector.broadcast %ne3A_1122 : i32 to vector<8x1024xi32>
    %ne3A_1124 = arith.cmpi ne, %rem3A_1121, %ne3A_1123 : vector<8x1024xi32>
    %and3A_1125 = arith.andi %ne3A_1119, %ne3A_1124 : vector<8x1024xi1>
    %sub3A_1126 = arith.constant 1 : i32
    %sub3A_1127 = vector.broadcast %sub3A_1126 : i32 to vector<8x1024xi32>
    %sub3A_1128 = arith.subi %div3A_1101, %sub3A_1127 : vector<8x1024xi32>
    %select_n3A_1129 = arith.select %and3A_1125, %sub3A_1128, %div3A_1101 : vector<8x1024xi1>, vector<8x1024xi32>
    %iota3A_1130 = tpu.iota {dimensions = array<i32: 0>} : vector<8x1024xi32>
    %eq3A_1131 = arith.cmpi eq, %select_n3A_1129, %iota3A_1130 : vector<8x1024xi32>
    %jit3A_1132 = arith.constant 0.000000e+00 : f32
    %broadcast_in_dim3A_1133 = vector.broadcast %jit3A_1132 : f32 to vector<8x1024xf32>
    %select_n3A_1134 = arith.select %eq3A_1131, %concatenate3A_1097, %broadcast_in_dim3A_1133 : vector<8x1024xi1>, vector<8x1024xf32>
    %dot_general3A_1135 = arith.constant dense<0.000000e+00> : vector<8x128xf32>
    %dot_general3A_1136 = tpu.matmul %select_n3A_1134, %reshape3A_1096, %dot_general3A_1135 {dimension_numbers = #tpu.dot_dimension_numbers<[1], [0], [0], [1], [0, 0, 1, 1], [], []>, transpose_lhs_hint = false} : vector<8x1024xf32>, vector<1024x128xf32>, vector<8x128xf32> -> vector<8x128xf32>
    %get3A_1137 = arith.constant 192 : index
    %get3A_1138 = arith.constant 0 : index
    %get3A_1139 = vector.load %arg1[%get3A_1137, %get3A_1138] : memref<200x128xf32, #tpu.memory_space<vmem>>, vector<8x128xf32>
    %get3A_1140 = arith.constant 192 : index
    %get3A_1141 = arith.constant 0 : index
    %get3A_1142 = arith.constant 0 : index
    %get3A_1143 = vector.load %arg2[%get3A_1140, %get3A_1141, %get3A_1142] : memref<200x128x128xf32, #tpu.memory_space<vmem>>, vector<8x128x128xf32>
    %reshape3A_1144 = vector.shape_cast %get3A_1143 : vector<8x128x128xf32> to vector<1024x128xf32>
    %concatenate3A_1145 = tpu.concatenate %get3A_1139, %get3A_1139, %get3A_1139, %get3A_1139, %get3A_1139, %get3A_1139, %get3A_1139, %get3A_1139 in 1 : vector<8x128xf32>, vector<8x128xf32>, vector<8x128xf32>, vector<8x128xf32>, vector<8x128xf32>, vector<8x128xf32>, vector<8x128xf32>, vector<8x128xf32> -> vector<8x1024xf32>
    %iota3A_1146 = tpu.iota {dimensions = array<i32: 1>} : vector<8x1024xi32>
    %jit3A_1147 = arith.constant 128 : i32
    %div3A_1148 = vector.broadcast %jit3A_1147 : i32 to vector<8x1024xi32>
    %div3A_1149 = arith.divsi %iota3A_1146, %div3A_1148 : vector<8x1024xi32>
    %sign3A_1150 = arith.constant 0 : i32
    %sign3A_1151 = vector.broadcast %sign3A_1150 : i32 to vector<8x1024xi32>
    %sign3A_1152 = arith.cmpi sgt, %iota3A_1146, %sign3A_1151 : vector<8x1024xi32>
    %sign3A_1153 = arith.extui %sign3A_1152 : vector<8x1024xi1> to vector<8x1024xi32>
    %sign3A_1154 = arith.constant 0 : i32
    %sign3A_1155 = vector.broadcast %sign3A_1154 : i32 to vector<8x1024xi32>
    %sign3A_1156 = arith.cmpi slt, %iota3A_1146, %sign3A_1155 : vector<8x1024xi32>
    %sign3A_1157 = arith.extui %sign3A_1156 : vector<8x1024xi1> to vector<8x1024xi32>
    %sign3A_1158 = arith.subi %sign3A_1153, %sign3A_1157 : vector<8x1024xi32>
    %sign3A_1159 = arith.constant 0 : i32
    %sign3A_1160 = arith.cmpi sgt, %jit3A_1147, %sign3A_1159 : i32
    %sign3A_1161 = arith.extui %sign3A_1160 : i1 to i32
    %sign3A_1162 = arith.constant 0 : i32
    %sign3A_1163 = arith.cmpi slt, %jit3A_1147, %sign3A_1162 : i32
    %sign3A_1164 = arith.extui %sign3A_1163 : i1 to i32
    %sign3A_1165 = arith.subi %sign3A_1161, %sign3A_1164 : i32
    %ne3A_1166 = vector.broadcast %sign3A_1165 : i32 to vector<8x1024xi32>
    %ne3A_1167 = arith.cmpi ne, %sign3A_1158, %ne3A_1166 : vector<8x1024xi32>
    %rem3A_1168 = vector.broadcast %jit3A_1147 : i32 to vector<8x1024xi32>
    %rem3A_1169 = arith.remsi %iota3A_1146, %rem3A_1168 : vector<8x1024xi32>
    %ne3A_1170 = arith.constant 0 : i32
    %ne3A_1171 = vector.broadcast %ne3A_1170 : i32 to vector<8x1024xi32>
    %ne3A_1172 = arith.cmpi ne, %rem3A_1169, %ne3A_1171 : vector<8x1024xi32>
    %and3A_1173 = arith.andi %ne3A_1167, %ne3A_1172 : vector<8x1024xi1>
    %sub3A_1174 = arith.constant 1 : i32
    %sub3A_1175 = vector.broadcast %sub3A_1174 : i32 to vector<8x1024xi32>
    %sub3A_1176 = arith.subi %div3A_1149, %sub3A_1175 : vector<8x1024xi32>
    %select_n3A_1177 = arith.select %and3A_1173, %sub3A_1176, %div3A_1149 : vector<8x1024xi1>, vector<8x1024xi32>
    %iota3A_1178 = tpu.iota {dimensions = array<i32: 0>} : vector<8x1024xi32>
    %eq3A_1179 = arith.cmpi eq, %select_n3A_1177, %iota3A_1178 : vector<8x1024xi32>
    %jit3A_1180 = arith.constant 0.000000e+00 : f32
    %broadcast_in_dim3A_1181 = vector.broadcast %jit3A_1180 : f32 to vector<8x1024xf32>
    %select_n3A_1182 = arith.select %eq3A_1179, %concatenate3A_1145, %broadcast_in_dim3A_1181 : vector<8x1024xi1>, vector<8x1024xf32>
    %dot_general3A_1183 = arith.constant dense<0.000000e+00> : vector<8x128xf32>
    %dot_general3A_1184 = tpu.matmul %select_n3A_1182, %reshape3A_1144, %dot_general3A_1183 {dimension_numbers = #tpu.dot_dimension_numbers<[1], [0], [0], [1], [0, 0, 1, 1], [], []>, transpose_lhs_hint = false} : vector<8x1024xf32>, vector<1024x128xf32>, vector<8x128xf32> -> vector<8x128xf32>
    %concatenate3A_1185 = tpu.concatenate %dot_general3A_32, %dot_general3A_80, %dot_general3A_128, %dot_general3A_176, %dot_general3A_224, %dot_general3A_272, %dot_general3A_320, %dot_general3A_368, %dot_general3A_416, %dot_general3A_464, %dot_general3A_512, %dot_general3A_560, %dot_general3A_608, %dot_general3A_656, %dot_general3A_704, %dot_general3A_752, %dot_general3A_800, %dot_general3A_848, %dot_general3A_896, %dot_general3A_944, %dot_general3A_992, %dot_general3A_1040, %dot_general3A_1088, %dot_general3A_1136, %dot_general3A_1184 in 0 : vector<8x128xf32>, vector<8x128xf32>, vector<8x128xf32>, vector<8x128xf32>, vector<8x128xf32>, vector<8x128xf32>, vector<8x128xf32>, vector<8x128xf32>, vector<8x128xf32>, vector<8x128xf32>, vector<8x128xf32>, vector<8x128xf32>, vector<8x128xf32>, vector<8x128xf32>, vector<8x128xf32>, vector<8x128xf32>, vector<8x128xf32>, vector<8x128xf32>, vector<8x128xf32>, vector<8x128xf32>, vector<8x128xf32>, vector<8x128xf32>, vector<8x128xf32>, vector<8x128xf32>, vector<8x128xf32> -> vector<200x128xf32>
    %get3A_1186 = arith.constant 0 : index
    %get3A_1187 = arith.constant 0 : index
    %get3A_1188 = vector.load %arg3[%get3A_1186, %get3A_1187] : memref<1x128xf32, #tpu.memory_space<vmem>>, vector<1x128xf32>
    %get3A_1189 = vector.shape_cast %get3A_1188 : vector<1x128xf32> to vector<128xf32>
    %broadcast_in_dim3A_1190 = vector.shape_cast %get3A_1189 : vector<128xf32> to vector<1x128xf32>
    %add3A = vector.broadcast %broadcast_in_dim3A_1190 : vector<1x128xf32> to vector<200x128xf32>
    %add3A_1191 = arith.addf %concatenate3A_1185, %add3A : vector<200x128xf32>
    %swap3A = arith.constant 0 : index
    %swap3A_1192 = arith.constant 0 : index
    %swap3A_1193 = vector.load %arg4[%swap3A, %swap3A_1192] : memref<200x128xf32, #tpu.memory_space<vmem>>, vector<200x128xf32>
    tpu.vector_store %arg4[%swap3A, %swap3A_1192], %add3A_1191 {strides = array<i32>} : memref<200x128xf32, #tpu.memory_space<vmem>>, vector<200x128xf32>,
    return
  }
  func.func @transform_0(%arg0: i32) -> (i32, i32) {
    %c0_i32 = arith.constant 0 : i32
    %c0_i32_0 = arith.constant 0 : i32
    return %arg0, %c0_i32 : i32, i32
  }
  func.func @transform_1(%arg0: i32) -> (i32, i32, i32) {
    %c0_i32 = arith.constant 0 : i32
    %c0_i32_0 = arith.constant 0 : i32
    %c0_i32_1 = arith.constant 0 : i32
    return %arg0, %c0_i32, %c0_i32_0 : i32, i32, i32
  }
  func.func @transform_2(%arg0: i32) -> (i32, i32) {
    %c0_i32 = arith.constant 0 : i32
    %c0_i32_0 = arith.constant 0 : i32
    %c0_i32_1 = arith.constant 0 : i32
    return %c0_i32, %c0_i32_0 : i32, i32
  }
  func.func @transform_3(%arg0: i32) -> (i32, i32) {
    %c0_i32 = arith.constant 0 : i32
    %c0_i32_0 = arith.constant 0 : i32
    return %arg0, %c0_i32 : i32, i32
  }
}

module attributes {stable_mosaic.version = 14 : i64} {
  func.func @_combine_body(%arg0: i32, %arg1: memref<2x400x128xf32, #tpu.memory_space<vmem>>, %arg2: memref<400x128xf32, #tpu.memory_space<vmem>>, %arg3: memref<400x128xf32, #tpu.memory_space<vmem>>) attributes {dimension_semantics = [#tpu.dimension_semantics<arbitrary>], iteration_bounds = array<i64: 25>, scalar_prefetch = 0 : i64, scratch_operands = 0 : i64, tpu.core_type = #tpu.core_type<tc>, window_params = [{transform_indices = @transform_0, window_bounds = array<i64: 2, 400, 128>}, {transform_indices = @transform_1, window_bounds = array<i64: 400, 128>}, {transform_indices = @transform_2, window_bounds = array<i64: 400, 128>}]} {
    %get3A = arith.constant 0 : index
    %get3A_0 = arith.constant 0 : index
    %get3A_1 = arith.constant 0 : index
    %get3A_2 = vector.load %arg1[%get3A, %get3A_0, %get3A_1] : memref<2x400x128xf32, #tpu.memory_space<vmem>>, vector<1x400x128xf32>
    %get3A_3 = vector.shape_cast %get3A_2 : vector<1x400x128xf32> to vector<400x128xf32>
    %get3A_4 = arith.constant 1 : index
    %get3A_5 = arith.constant 0 : index
    %get3A_6 = arith.constant 0 : index
    %get3A_7 = vector.load %arg1[%get3A_4, %get3A_5, %get3A_6] : memref<2x400x128xf32, #tpu.memory_space<vmem>>, vector<1x400x128xf32>
    %get3A_8 = vector.shape_cast %get3A_7 : vector<1x400x128xf32> to vector<400x128xf32>
    %add3A = arith.addf %get3A_3, %get3A_8 : vector<400x128xf32>
    %get3A_9 = arith.constant 0 : index
    %get3A_10 = arith.constant 0 : index
    %get3A_11 = vector.load %arg2[%get3A_9, %get3A_10] : memref<400x128xf32, #tpu.memory_space<vmem>>, vector<400x128xf32>
    %add3A_12 = arith.addf %add3A, %get3A_11 : vector<400x128xf32>
    %swap3A = arith.constant 0 : index
    %swap3A_13 = arith.constant 0 : index
    %swap3A_14 = vector.load %arg3[%swap3A, %swap3A_13] : memref<400x128xf32, #tpu.memory_space<vmem>>, vector<400x128xf32>
    tpu.vector_store %arg3[%swap3A, %swap3A_13], %add3A_12 {strides = array<i32>} : memref<400x128xf32, #tpu.memory_space<vmem>>, vector<400x128xf32>,
    return
  }
  func.func @transform_0(%arg0: i32) -> (i32, i32, i32) {
    %c0_i32 = arith.constant 0 : i32
    %c0_i32_0 = arith.constant 0 : i32
    %c0_i32_1 = arith.constant 0 : i32
    return %c0_i32, %arg0, %c0_i32_0 : i32, i32, i32
  }
  func.func @transform_1(%arg0: i32) -> (i32, i32) {
    %c0_i32 = arith.constant 0 : i32
    %c0_i32_0 = arith.constant 0 : i32
    return %arg0, %c0_i32 : i32, i32
  }
  func.func @transform_2(%arg0: i32) -> (i32, i32) {
    %c0_i32 = arith.constant 0 : i32
    %c0_i32_0 = arith.constant 0 : i32
    return %arg0, %c0_i32 : i32, i32
  }
}

</mosaic_0001>

<sc_bundles>
// kernel: kernel.5.cloned.1.call-start
scs
__scs_entry_jumppad:
0x0: {  	(pc) =	sbr.rel $0x88, $3  }
0x1: {  	(tag) =	ssettag $0x0;
	lr =	simm.s32 $0x1  }
0x2: {  	[smem:$0x3F9D] =	sst lr;
	_ =	strace $0xD0000000  }
0x3: {  	_ = 	snop  }
0x4: {  	_ = 	snop  }
0x5: {  	_ = 	snop  }
0x6: {  	_ = 	snop  }
0x7: {  	_ = 	snop  }
__scs_overlays_trampoline_lowered:
0x8: {  	[smem:$0x3FAC] =	sst s0  }
0x9: {  	[smem:$0x3FAD] =	sst s1  }
0xa: {  	[smem:$0x3FAE] =	sst s2  }
0xb: {  	[smem:$0x3FAF] =	sst s3  }
0xc: {  	[smem:$0x3FB0] =	sst s4  }
0xd: {  	[smem:$0x3FB1] =	sst s5  }
0xe: {  	[smem:$0x3FB2] =	sst s6  }
0xf: {  	[smem:$0x3FB3] =	sst s7  }
0x10: {  	[smem:$0x3FB4] =	sst s8  }
0x11: {  	[smem:$0x3FB5] =	sst s9;
	s0 =	simm.s32 @!p0 $0x0  }
0x12: {  	s1 =	sld [smem:$0x3F9B];
	s0 =	simm.s32 @p0 $0x1  }
0x13: {  	[smem:$0x3FB6] =	sst s0;
	s0 =	simm.s32 @!p1 $0x0  }
0x14: {  	s2 =	sld [smem:$0x3F9A];
	s0 =	simm.s32 @p1 $0x1  }
0x15: {  	[smem:$0x3FB7] =	sst s0;
	s0 =	simm.s32 @!p2 $0x0  }
0x16: {  	s3 =	sld [smem:$0x3FDB];
	s0 =	simm.s32 @p2 $0x1  }
0x17: {  	s4 =	simm.s32 $0x1BF5;
	[smem:$0x3FB9] =	sst s0  }
0x18: {  	s0 =	sld [smem:$0x3F9C];
	_ =	swait.ge [sflag:s4], $0x0  }
0x19: {  	s7 =	sld [smem:$0x3F9D]  }
0x1a: {  	s8 =	sadd.s32 $0xFFFFE003, lr  }
0x1b: {  	s9 =	sadd.s32 $0xFFFFFEF7, lr;
	s5 =	simm.s32 $0xFFFFFFFF;
	p2 =	slt.u32 s8, $0xFFFFF086  }
0x1c: {  	p1 =	slt.u32 s9, $0xF7A;
	s5 =	simm.s32 @!p2 $0x0  }
0x1d: {  	s5 =	simm.s32 @p1 $0x1;
	p0 =	seq.s32 s7, s2  }
0x1e: {  	s7 =	smul.u32 @!p0 $0xF7A, s2;
	p2 =	seq.s32 @!p0 s5, $0x0  }
0x1f: {  	s9 =	smul.u32 $0xF7A, s1;
	s8 =	simm.s32 @!p0 $0x1BF5;
	p2 =	por !p2, p0  }
0x20: {  	[sflag:s8] =	ssyncset.s32 @!p0 $0xFFFFF086;
	s6 =	sadd.s32 @!p0 s3, s7;
	s7 =	simm.s32 @!p0 $0x108  }
0x21: {  	s3 =	sadd.s32 s3, s9;
	s6 =	sadd.s32 @!p0 $0x88, s6;
	s7 =	simm.s32 @p2 $0x1082  }
0x22: {  	[simem:s7], [sflag:s8] =	dma.local @!p0 [hbm:s6], $0xF7A  }
0x23: {  	s9 =	sor.u32 $0xD0000000, s2;
	s6 =	simm.s32 $0x108;
	_ =	swait.ge @!p0 [sflag:s8], $0x0  }
0x24: {  	s3 =	sadd.s32 $0x88, s3;
	s6 =	simm.s32 @!p1 $0x1082;
	[sflag:s4] =	ssyncset.s32 $0xFFFFF086  }
0x25: {  	[simem:s6], [sflag:s4] =	dma.local [hbm:s3], $0xF7A  }
0x26: {  	[smem:$0x3F9D] =	sst s1;
	(tag) =	ssettag s2;
	_ =	strace s9  }
0x27: {  	s1 =	sld [smem:$0x3FAD]  }
0x28: {  	s2 =	sld [smem:$0x3FAE]  }
0x29: {  	s4 =	sld [smem:$0x3FB0]  }
0x2a: {  	p0 =	seq.s32 s5, $0x0;
	s5 =	sld [smem:$0x3FB1]  }
0x2b: {  	s6 =	sld [smem:$0x3FB2]  }
0x2c: {  	s7 =	sld [smem:$0x3FB3]  }
0x2d: {  	s3 =	simm.s32 $0x108;
	s8 =	sld [smem:$0x3FB4]  }
0x2e: {  	s3 =	simm.s32 @!p0 $0x1082;
	s9 =	sld [smem:$0x3FB5]  }
0x2f: {  	lr =	sadd.s32 s0, s3;
	s0 =	sld [smem:$0x3FAC]  }
0x30: {  	s3 =	sld [smem:$0x3FAF]  }
0x31: {  	[smem:$0x3FB8] =	sst s10  }
0x32: {  	s10 =	sld [smem:$0x3FB6];
	_ =	sdelay $0x3  }
0x33: {  	p0 =	seq.s32 s10, $0x1;
	s10 =	sld [smem:$0x3FB8];
	_ =	sdelay $0x3  }
0x34: {  	[smem:$0x3FB8] =	sst s10  }
0x35: {  	s10 =	sld [smem:$0x3FB7];
	_ =	sdelay $0x3  }
0x36: {  	p1 =	seq.s32 s10, $0x1;
	s10 =	sld [smem:$0x3FB8];
	_ =	sdelay $0x3  }
0x37: {  	[smem:$0x3FB8] =	sst s10  }
0x38: {  	s10 =	sld [smem:$0x3FB9]  }
0x39: {  	_ = 	snop;
	(pc) =	sbr.ind lr, $3  }
0x3a: {  	_ = 	snop  }
0x3b: {  	_ = 	snop  }
0x3c: {  	p2 =	seq.s32 s10, $0x1;
	s10 =	sld [smem:$0x3FB8]  }
0x3d: {  	_ =	shalt  }
0x3e: {  	_ =	shalt  }
0x3f: {  	_ =	shalt  }
0x40: {  	_ =	shalt  }
0x41: {  	_ =	shalt  }
0x42: {  	_ =	shalt  }
0x43: {  	_ =	shalt  }
0x44: {  	_ =	shalt  }
0x45: {  	_ =	shalt  }
0x46: {  	_ =	shalt  }
0x47: {  	_ =	shalt  }
0x48: {  	_ =	shalt  }
0x49: {  	_ =	shalt  }
0x4a: {  	_ =	shalt  }
0x4b: {  	_ =	shalt  }
0x4c: {  	_ =	shalt  }
0x4d: {  	_ =	shalt  }
0x4e: {  	_ =	shalt  }
0x4f: {  	_ =	shalt  }
0x50: {  	_ =	shalt  }
0x51: {  	_ =	shalt  }
0x52: {  	_ =	shalt  }
0x53: {  	_ =	shalt  }
0x54: {  	_ =	shalt  }
0x55: {  	_ =	shalt  }
0x56: {  	_ =	shalt  }
0x57: {  	_ =	shalt  }
0x58: {  	_ =	shalt  }
0x59: {  	_ =	shalt  }
0x5a: {  	_ =	shalt  }
0x5b: {  	_ =	shalt  }
0x5c: {  	_ =	shalt  }
0x5d: {  	_ =	shalt  }
0x5e: {  	_ =	shalt  }
0x5f: {  	_ =	shalt  }
0x60: {  	_ =	shalt  }
0x61: {  	_ =	shalt  }
0x62: {  	_ =	shalt  }
0x63: {  	_ =	shalt  }
0x64: {  	_ =	shalt  }
0x65: {  	_ =	shalt  }
0x66: {  	_ =	shalt  }
0x67: {  	_ =	shalt  }
0x68: {  	_ =	shalt  }
0x69: {  	_ =	shalt  }
0x6a: {  	_ =	shalt  }
0x6b: {  	_ =	shalt  }
0x6c: {  	_ =	shalt  }
0x6d: {  	_ =	shalt  }
0x6e: {  	_ =	shalt  }
0x6f: {  	_ =	shalt  }
0x70: {  	_ =	shalt  }
0x71: {  	_ =	shalt  }
0x72: {  	_ =	shalt  }
0x73: {  	_ =	shalt  }
0x74: {  	_ =	shalt  }
0x75: {  	_ =	shalt  }
0x76: {  	_ =	shalt  }
0x77: {  	_ =	shalt  }
0x78: {  	_ =	shalt  }
0x79: {  	_ =	shalt  }
0x7a: {  	_ =	shalt  }
0x7b: {  	_ =	shalt  }
0x7c: {  	_ =	shalt  }
0x7d: {  	_ =	shalt  }
0x7e: {  	_ =	shalt  }
0x7f: {  	_ =	shalt  }
0x80: {  	_ =	shalt  }
0x81: {  	_ =	shalt  }
0x82: {  	_ =	shalt  }
0x83: {  	_ =	shalt  }
0x84: {  	_ =	shalt  }
0x85: {  	_ =	shalt  }
0x86: {  	_ =	shalt  }
0x87: {  	_ =	shalt  }
.Lfunc_end0:
.L_simem_size_0:
called_computation_lowered:
.L_overlay_start_0:
0x88: {  	s2 =	sld [smem:$0x3FD9]  }
0x89: {  	s3 =	sld [smem:$0x3FFE];
	_ =	sdelay $0x1  }
0x8a: {  	s1 =	srdreg.scid  }
0x8b: {  	s0 =	sand.u32 $0x1, s1  }
0x8c: {  	s17 =	sshll.u32 s0, $0xA;
	s2 =	sadd.s32 s3, s2  }
0x8d: {  	s2 =	sadd.s32 s2, s17  }
0x8e: {  	[smem:$0x3FC4] =	sst s2  }
0x8f: {  	_ = 	snop  }
0x90: {  	s2 =	sld [smem:$0x3FD0];
	(tm) =	ssettm $0x1  }
0x91: {  	s18 =	sld [smem:$0x3FFB];
	_ =	sdelay $0x3  }
0x92: {  	_ =	strace s18  }
0x93: {  	s3 =	sld [smem:$0x3FFC];
	_ =	sdelay $0x3  }
0x94: {  	_ =	strace s3  }
0x95: {  	s3 =	sld [smem:$0x3FFD];
	_ =	sdelay $0x3  }
0x96: {  	_ =	strace s3  }
0x97: {  	_ =	strace $0x8FFFFFFF  }
0x98: {  	s19 =	sld [smem:$0x3FDB];
	_ =	sdelay $0x1  }
0x99: {  	s4 =	simm.s32 $_scs_section_size  }
0x9a: {  	s5 =	simm.s32 $_size__tile_overlayer_lowered;
	s6 =	simm.s32 $_tile_overlayer_lowered  }
0x9b: {  	s22 =	simm.s32 $0x1BFF;
	s21 =	sshll.u32 s6, $0x1;
	s3 =	sadd.s32 s4, s19  }
0x9c: {  	s7 =	simm.s32 $0x0;
	s20 =	sshll.u32 s5, $0x1;
	s5 =	sadd.s32 s21, s3  }
0x9d: {  	[timem:s7], [sflag:s22] =	dma.local [hbm:s5], s20  }
0x9e: {  	_ =	swait.ge [sflag:s22], s20  }
0x9f: {  	s4 =	ssub.s32 $0x0, s20;
	[sflag:s22] =	ssyncset.done $0x0  }
0xa0: {  	[sflag:s22] =	ssyncadd.s32 s4;
	_ =	sdelay $0x1  }
0xa1: {  	s23 =	simm.s32 $0x1B8B  }
0xa2: {  	_ =	swait.ge [sflag:s23], $0x1  }
0xa3: {  	[sflag:s23] =	ssyncset.done $0x0  }
0xa4: {  	s25 =	simm.s32 $0x1B8E;
	s24 =	sld [smem:$0x3FFE];
	[sflag:s23] =	ssyncadd.s32 $0xFFFFFFFF  }
0xa5: {  	s26 =	simm.s32 $execute0_lowered;
	[smem:$0x3FD2] =	sst s25  }
0xa6: {  	s5 =	sshll.u32 s26, $0x1;
	_ =	strace $0x80000046;
	[dreg:$0x1] =	wrdreg $0xFFFFFFFF  }
0xa7: {  	s28 =	simm.s32 $_size_execute0_lowered;
	s3 =	sadd.s32 s3, s5;
	[dreg:$0x0] =	wrdreg $0x0  }
0xa8: {  	s5 =	sshll.u32 s28, $0x1;
	[dreg:$0x2] =	wrdreg s3  }
0xa9: {  	[dreg:$0x3] =	wrdreg s5  }
0xaa: {  	[dreg:$0x4] =	wrdreg $0xC0  }
0xab: {  	_ =	task [dreg:s7], $0x5FFFF  }
0xac: {  	[dreg:$0x1] =	wrdreg $0xFFFFFFFF  }
0xad: {  	[dreg:$0x0] =	wrdreg $0x60  }
0xae: {  	[dreg:$0x2] =	wrdreg s2  }
0xaf: {  	[dreg:$0x3] =	wrdreg s24  }
0xb0: {  	[dreg:$0x4] =	wrdreg $0xA8000  }
0xb1: {  	[dreg:$0x5] =	wrdreg $0x9  }
0xb2: {  	_ =	task.clear_ibuf [dreg:s7], $0x6FFFF;
	_ =	strace $0x90000046  }
0xb3: {  	s29 =	simm.s32 $0x9;
	_ =	strace $0x80000048  }
0xb4: {  	_ =	swait.ge [sflag:s29], $0x1  }
0xb5: {  	[sflag:s29] =	ssyncadd.s32 $0xFFFFFFFF  }
0xb6: {  	_ =	strace $0x90000048  }
0xb7: {  	_ =	sfence  }
0xb8: {  	s30 =	sld [smem:$0x0];
	_ =	sdelay $0x2  }
0xb9: {  	s31 =	sshll.u32 s1, $0xD;
	s1 =	sshrl.u32 s1, $0x2  }
0xba: {  	s3 =	sand.u32 $0x4000, s31;
	s1 =	sadd.s32 s1, s30  }
0xbb: {  	s0 =	sor.u32 s3, s0;
	s1 =	sshll.u32 s1, $0x11  }
0xbc: {  	s0 =	sor.u32 s1, s0  }
0xbd: {  	s0 =	sadd.s32 $0x8F2B, s0  }
0xbe: {  	[sflag:s0] =	ssyncadd.remote.s32 $0x1  }
0xbf: {  	_ =	sfence.sel $0xFFFF  }
0xc0: {  	[dreg:$0x0] =	wrdreg $0xFFFFFFFF;
	(pc) =	sbr.abs _section_cstart, $3  }
0xc1: {  	[dreg:$0x1] =	wrdreg $0xFFFFFFFF  }
0xc2: {  	_ =	task.clear_ibuf [dreg:s7], $0x2FFFF;
	_ =	strace $0x9FFFFFFF  }
0xc3: {  	(tm) =	ssettm $0x7FFFFFFF  }
tec
execute0_lowered:
.L_overlay_start_1:
0x0: {  	(tag) =	ssettag $0x1  }
0x1: {  	s2 =	srdreg.scid;
	s1 =	rddreg [dreg:$0x0]  }
0x2: {  	s0 =	stileid.u32;
	s6 =	rddreg [dreg:$0x1]  }
0x3: {  	s3 =	rddreg [dreg:$0x2];
	s4 =	simm.s32 $0x0;
	s13 =	simm.s32 $0x80  }
0x4: {  	s14 =	simm.s32 $0x2800;
	s15 =	simm.s32 $0x6800;
	s16 =	simm.s32 $0x1  }
0x5: {  	s17 =	simm.s32 $0x2;
	s18 =	simm.s32 $0x1380;
	s19 =	simm.s32 $0x2700  }
0x6: {  	s20 =	simm.s32 $0x2780;
	s5 =	sand.u32 $0x1, s2;
	s23 =	smul.u32 $0x2780, s0  }
0x7: {  	s25 =	sshll.u32 s0, $0x1;
	[smem:$0x7FF] =	sst s4;
	s9 =	smul.u32 $0x4F000, s0  }
0x8: {  	s31 =	sshll.u32 s0, $0x6;
	s2 =	sor.u32 s5, s25;
	s8 =	smul.u32 $0x27800, s5  }
0x9: {  	s5 =	ssub.s32 $0x2, s5;
	s7 =	smul.u32 $0x500, s2;
	s2 =	rddreg [dreg:$0x3]  }
0xa: {  	_ =	strace $0x80000047;
	s26 =	sadd.s32 s23, s6;
	s28 =	sshrl.u32 s5, $0x1  }
0xb: {  	s29 =	sshrl.u32 s9, $0x2;
	s11 =	sadd.s32 s8, s6;
	s30 =	ssub.s32 s5, s28  }
0xc: {  	s12 =	sadd.s32 s29, s3;
	s5 =	sadd.s32 $0x15400, s26;
	s10 =	sadd.s32 s7, s6  }
0xd: {  	s6 =	sor.u32 $0x1C03, s31;
	s24 =	sadd.s32 $0x3CC00, s11;
	s9 =	smax.u32 s30, $0x1  }
0xe: {  	s11 =	simm.s32 $0x3;
	s7 =	sadd.s32 $0x1400, s10;
	s8 =	sadd.s32 $0xB400, s10  }
0xf: {  	s10 =	sshrl.u32 s12, $0x3;
	s12 =	simm.s32 $0x1400;
	s23 =	sadd.s32 s23, s24  }
0x10: {  	s24 =	simm.s32 $0x0;
	s21 =	sadd.s32 $0x280, s7;
	s22 =	sadd.s32 $0x280, s8  }
.LBB2_1:
0x11: {  	[spmem:s10], [sflag:s6] =	dma.local [hbm:s5], $0x2780  }
0x12: {  	_ =	swait.ge [sflag:s11], $0x2780  }
0x13: {  	[sflag:s11] =	ssyncset.done $0x0  }
0x14: {  	[sflag:s11] =	ssyncadd.s32 $0xFFFFD880  }
0x15: {  	[bflag:$0x0] =	sbarrier.arrive $0xFFFF  }
0x16: {  	[tilespmem:s4], [sflag:$0x3] =	stream.linear.gather [hbm4b:s7+s4], $0x1400, $0x38;
	[tilespmem:$0x1E400] =	vst v63  }
0x17: {  	_ =	swait.ge [sflag:s11], $0x1400  }
0x18: {  	[sflag:s11] =	ssyncset.done $0x0  }
0x19: {  	[sflag:s11] =	ssyncadd.s32 $0xFFFFEC00  }
0x1a: {  	[tilespmem:s12], [sflag:$0x3] =	stream.linear.gather [hbm4b:s8+s4], $0x1400, $0x38;
	[tilespmem:$0x1E400] =	vst v63  }
0x1b: {  	_ =	swait.ge [sflag:s11], $0x1400  }
0x1c: {  	[sflag:s11] =	ssyncset.done $0x0  }
0x1d: {  	[sflag:s11] =	ssyncadd.s32 $0xFFFFEC00  }
0x1e: {  	[tilespmem:s14], [sflag:$0x1] =	stream.indirect.gather [hbm4b:s1+s13], $0x80, s4, s13, $0xb8;
	[tilespmem:$0x1E400] =	vst v63  }
0x1f: {  	s25 =	simm.s32 $0x80  }
0x20: {  	[tilespmem:s15], [sflag:$0x2] =	stream.indirect.gather [hbm4b:s1+s13], $0x80, s25, s13, $0xb8;
	[tilespmem:$0x1E400] =	vst v63  }
0x21: {  	_ =	swait.ge [sflag:s16], $0x4000  }
0x22: {  	[sflag:s16] =	ssyncset.done $0x0  }
0x23: {  	s29 =	simm.s32 $0x1400;
	[sflag:s16] =	ssyncadd.s32 $0xFFFFC000  }
0x24: {  	[spmem:s3] =	stream.indirect.scatter.add.f32 [tilespmem:s14], [sflag:$0x3], $0x80, s29, s13, $0xb8;
	[tilespmem:$0x1E400] =	vst v63  }
0x25: {  	_ =	swait.ge [sflag:s11], $0x4000  }
0x26: {  	[sflag:s11] =	ssyncset.done $0x0  }
0x27: {  	s30 =	simm.s32 $0x100;
	[sflag:s11] =	ssyncadd.s32 $0xFFFFC000  }
0x28: {  	[tilespmem:s14], [sflag:$0x1] =	stream.indirect.gather [hbm4b:s1+s13], $0x80, s30, s13, $0xb8;
	[tilespmem:$0x1E400] =	vst v63  }
0x29: {  	_ =	swait.ge [sflag:s17], $0x4000  }
0x2a: {  	[sflag:s17] =	ssyncset.done $0x0  }
0x2b: {  	s31 =	simm.s32 $0x1480;
	[sflag:s17] =	ssyncadd.s32 $0xFFFFC000  }
0x2c: {  	[spmem:s3] =	stream.indirect.scatter.add.f32 [tilespmem:s15], [sflag:$0x3], $0x80, s31, s13, $0xb8;
	[tilespmem:$0x1E400] =	vst v63  }
0x2d: {  	_ =	swait.ge [sflag:s11], $0x4000  }
0x2e: {  	s26 =	simm.s32 $0xC00;
	s25 =	simm.s32 $0x200;
	[sflag:s11] =	ssyncset.done $0x0  }
.LBB2_2:
0x2f: {  	s28 =	sadd.s32 $0xFFFFFF80, s25  }
0x30: {  	[sflag:s11] =	ssyncadd.s32 $0xFFFFC000;
	s29 =	smov.u32 s26;
	s30 =	sadd.s32 $0x400, s26  }
0x31: {  	[tilespmem:s15], [sflag:$0x2] =	stream.indirect.gather [hbm4b:s1+s13], $0x80, s28, s13, $0xb8;
	[tilespmem:$0x1E400] =	vst v63  }
0x32: {  	p0 =	sne.s32 s26, $0x4C00;
	_ =	swait.ge [sflag:s16], $0x4000  }
0x33: {  	[sflag:s16] =	ssyncset.done $0x0  }
0x34: {  	s26 =	sadd.s32 $0x1300, s25;
	[sflag:s16] =	ssyncadd.s32 $0xFFFFC000  }
0x35: {  	[spmem:s3] =	stream.indirect.scatter.add.f32 [tilespmem:s14], [sflag:$0x3], $0x80, s26, s13, $0xb8;
	[tilespmem:$0x1E400] =	vst v63  }
0x36: {  	_ =	swait.ge [sflag:s11], $0x4000  }
0x37: {  	[sflag:s11] =	ssyncset.done $0x0  }
0x38: {  	[sflag:s11] =	ssyncadd.s32 $0xFFFFC000  }
0x39: {  	[tilespmem:s14], [sflag:$0x1] =	stream.indirect.gather [hbm4b:s1+s13], $0x80, s25, s13, $0xb8;
	[tilespmem:$0x1E400] =	vst v63  }
0x3a: {  	_ =	swait.ge [sflag:s17], $0x4000  }
.Ltmp0:
0x3b: {  	[sflag:s17] =	ssyncset.done $0x0;
	(pc) =	sbr.rel @p0 .LBB2_2-.Ltmp0, $4  }
0x3c: {  	s25 =	sadd.s32 $0x1380, s25;
	[sflag:s17] =	ssyncadd.s32 $0xFFFFC000  }
0x3d: {  	[spmem:s3] =	stream.indirect.scatter.add.f32 [tilespmem:s15], [sflag:$0x3], $0x80, s25, s13, $0xb8;
	[tilespmem:$0x1E400] =	vst v63  }
0x3e: {  	_ =	swait.ge [sflag:s11], $0x4000  }
0x3f: {  	s26 =	smov.u32 s30;
	s25 =	sshra.s32 s29, $0x2;
	[sflag:s11] =	ssyncset.done $0x0  }
0x40: {  	s26 =	sadd.s32 $0xFFFFFF80, s25;
	[sflag:s11] =	ssyncadd.s32 $0xFFFFC000  }
0x41: {  	[tilespmem:s15], [sflag:$0x2] =	stream.indirect.gather [hbm4b:s1+s13], $0x80, s26, s13, $0xb8;
	[tilespmem:$0x1E400] =	vst v63  }
0x42: {  	_ =	swait.ge [sflag:s16], $0x4000  }
0x43: {  	[sflag:s16] =	ssyncset.done $0x0  }
0x44: {  	s31 =	sadd.s32 $0x1300, s25;
	[sflag:s16] =	ssyncadd.s32 $0xFFFFC000  }
0x45: {  	[spmem:s3] =	stream.indirect.scatter.add.f32 [tilespmem:s14], [sflag:$0x3], $0x80, s31, s13, $0xb8;
	[tilespmem:$0x1E400] =	vst v63  }
0x46: {  	_ =	swait.ge [sflag:s11], $0x4000  }
0x47: {  	[sflag:s11] =	ssyncset.done $0x0  }
0x48: {  	[sflag:s11] =	ssyncadd.s32 $0xFFFFC000  }
0x49: {  	[tilespmem:s14], [sflag:$0x1] =	stream.indirect.gather [hbm4b:s1+s13], $0x80, s25, s13, $0xb8;
	[tilespmem:$0x1E400] =	vst v63  }
0x4a: {  	_ =	swait.ge [sflag:s17], $0x4000  }
0x4b: {  	[sflag:s17] =	ssyncset.done $0x0  }
0x4c: {  	s26 =	sadd.s32 $0x1380, s25;
	[sflag:s17] =	ssyncadd.s32 $0xFFFFC000  }
0x4d: {  	[spmem:s3] =	stream.indirect.scatter.add.f32 [tilespmem:s15], [sflag:$0x3], $0x80, s26, s13, $0xb8;
	[tilespmem:$0x1E400] =	vst v63  }
0x4e: {  	_ =	swait.ge [sflag:s11], $0x4000  }
0x4f: {  	[sflag:s11] =	ssyncset.done $0x0  }
0x50: {  	[sflag:s11] =	ssyncadd.s32 $0xFFFFC000  }
0x51: {  	[tilespmem:s15], [sflag:$0x2] =	stream.indirect.gather [hbm4b:s1+s13], $0x80, s18, s13, $0xb8;
	[tilespmem:$0x1E400] =	vst v63  }
0x52: {  	_ =	swait.ge [sflag:s16], $0x4000  }
0x53: {  	[sflag:s16] =	ssyncset.done $0x0  }
0x54: {  	[sflag:s16] =	ssyncadd.s32 $0xFFFFC000  }
0x55: {  	[spmem:s3] =	stream.indirect.scatter.add.f32 [tilespmem:s14], [sflag:$0x3], $0x80, s19, s13, $0xb8;
	[tilespmem:$0x1E400] =	vst v63  }
0x56: {  	_ =	swait.ge [sflag:s11], $0x4000  }
0x57: {  	[sflag:s11] =	ssyncset.done $0x0  }
0x58: {  	[sflag:s11] =	ssyncadd.s32 $0xFFFFC000  }
0x59: {  	_ =	swait.ge [sflag:s17], $0x4000  }
0x5a: {  	[sflag:s17] =	ssyncset.done $0x0  }
0x5b: {  	[sflag:s17] =	ssyncadd.s32 $0xFFFFC000  }
0x5c: {  	[spmem:s3] =	stream.indirect.scatter.add.f32 [tilespmem:s15], [sflag:$0x3], $0x80, s20, s13, $0xb8;
	[tilespmem:$0x1E400] =	vst v63  }
0x5d: {  	_ =	swait.ge [sflag:s11], $0x4000  }
0x5e: {  	[sflag:s11] =	ssyncset.done $0x0  }
0x5f: {  	[sflag:s11] =	ssyncadd.s32 $0xFFFFC000  }
0x60: {  	[tilespmem:s4], [sflag:$0x3] =	stream.linear.gather [hbm4b:s21+s4], $0x1400, $0x38;
	[tilespmem:$0x1E400] =	vst v63  }
0x61: {  	_ =	swait.ge [sflag:s11], $0x1400  }
0x62: {  	[sflag:s11] =	ssyncset.done $0x0  }
0x63: {  	[sflag:s11] =	ssyncadd.s32 $0xFFFFEC00  }
0x64: {  	[tilespmem:s12], [sflag:$0x3] =	stream.linear.gather [hbm4b:s22+s4], $0x1400, $0x38;
	[tilespmem:$0x1E400] =	vst v63  }
0x65: {  	_ =	swait.ge [sflag:s11], $0x1400  }
0x66: {  	[sflag:s11] =	ssyncset.done $0x0  }
0x67: {  	[sflag:s11] =	ssyncadd.s32 $0xFFFFEC00  }
0x68: {  	[tilespmem:s14], [sflag:$0x1] =	stream.indirect.gather [hbm4b:s1+s13], $0x80, s4, s13, $0xb8;
	[tilespmem:$0x1E400] =	vst v63  }
0x69: {  	s28 =	simm.s32 $0x80  }
0x6a: {  	[tilespmem:s15], [sflag:$0x2] =	stream.indirect.gather [hbm4b:s1+s13], $0x80, s28, s13, $0xb8;
	[tilespmem:$0x1E400] =	vst v63  }
0x6b: {  	_ =	swait.ge [sflag:s16], $0x4000  }
0x6c: {  	[sflag:s16] =	ssyncset.done $0x0  }
0x6d: {  	s29 =	simm.s32 $0x1400;
	[sflag:s16] =	ssyncadd.s32 $0xFFFFC000  }
0x6e: {  	[spmem:s3] =	stream.indirect.scatter.add.f32 [tilespmem:s14], [sflag:$0x3], $0x80, s29, s13, $0xb8;
	[tilespmem:$0x1E400] =	vst v63  }
0x6f: {  	_ =	swait.ge [sflag:s11], $0x4000  }
0x70: {  	[sflag:s11] =	ssyncset.done $0x0  }
0x71: {  	s30 =	simm.s32 $0x100;
	[sflag:s11] =	ssyncadd.s32 $0xFFFFC000  }
0x72: {  	[tilespmem:s14], [sflag:$0x1] =	stream.indirect.gather [hbm4b:s1+s13], $0x80, s30, s13, $0xb8;
	[tilespmem:$0x1E400] =	vst v63  }
0x73: {  	_ =	swait.ge [sflag:s17], $0x4000  }
0x74: {  	[sflag:s17] =	ssyncset.done $0x0  }
0x75: {  	s31 =	simm.s32 $0x1480;
	[sflag:s17] =	ssyncadd.s32 $0xFFFFC000  }
0x76: {  	[spmem:s3] =	stream.indirect.scatter.add.f32 [tilespmem:s15], [sflag:$0x3], $0x80, s31, s13, $0xb8;
	[tilespmem:$0x1E400] =	vst v63  }
0x77: {  	_ =	swait.ge [sflag:s11], $0x4000  }
0x78: {  	s25 =	simm.s32 $0x200;
	s26 =	simm.s32 $0xC00;
	[sflag:s11] =	ssyncset.done $0x0  }
.LBB2_4:
0x79: {  	s28 =	sadd.s32 $0xFFFFFF80, s25  }
0x7a: {  	[sflag:s11] =	ssyncadd.s32 $0xFFFFC000;
	s29 =	smov.u32 s26;
	s30 =	sadd.s32 $0x400, s26  }
0x7b: {  	[tilespmem:s15], [sflag:$0x2] =	stream.indirect.gather [hbm4b:s1+s13], $0x80, s28, s13, $0xb8;
	[tilespmem:$0x1E400] =	vst v63  }
0x7c: {  	p0 =	sne.s32 s26, $0x4C00;
	_ =	swait.ge [sflag:s16], $0x4000  }
0x7d: {  	[sflag:s16] =	ssyncset.done $0x0  }
0x7e: {  	s26 =	sadd.s32 $0x1300, s25;
	[sflag:s16] =	ssyncadd.s32 $0xFFFFC000  }
0x7f: {  	[spmem:s3] =	stream.indirect.scatter.add.f32 [tilespmem:s14], [sflag:$0x3], $0x80, s26, s13, $0xb8;
	[tilespmem:$0x1E400] =	vst v63  }
0x80: {  	_ =	swait.ge [sflag:s11], $0x4000  }
0x81: {  	[sflag:s11] =	ssyncset.done $0x0  }
0x82: {  	[sflag:s11] =	ssyncadd.s32 $0xFFFFC000  }
0x83: {  	[tilespmem:s14], [sflag:$0x1] =	stream.indirect.gather [hbm4b:s1+s13], $0x80, s25, s13, $0xb8;
	[tilespmem:$0x1E400] =	vst v63  }
0x84: {  	_ =	swait.ge [sflag:s17], $0x4000  }
.Ltmp1:
0x85: {  	[sflag:s17] =	ssyncset.done $0x0;
	(pc) =	sbr.rel @p0 .LBB2_4-.Ltmp1, $4  }
0x86: {  	s25 =	sadd.s32 $0x1380, s25;
	[sflag:s17] =	ssyncadd.s32 $0xFFFFC000  }
0x87: {  	[spmem:s3] =	stream.indirect.scatter.add.f32 [tilespmem:s15], [sflag:$0x3], $0x80, s25, s13, $0xb8;
	[tilespmem:$0x1E400] =	vst v63  }
0x88: {  	_ =	swait.ge [sflag:s11], $0x4000  }
0x89: {  	s26 =	smov.u32 s30;
	s25 =	sshra.s32 s29, $0x2;
	[sflag:s11] =	ssyncset.done $0x0  }
0x8a: {  	s26 =	sadd.s32 $0xFFFFFF80, s25;
	[sflag:s11] =	ssyncadd.s32 $0xFFFFC000  }
0x8b: {  	[tilespmem:s15], [sflag:$0x2] =	stream.indirect.gather [hbm4b:s1+s13], $0x80, s26, s13, $0xb8;
	[tilespmem:$0x1E400] =	vst v63  }
0x8c: {  	_ =	swait.ge [sflag:s16], $0x4000  }
0x8d: {  	[sflag:s16] =	ssyncset.done $0x0  }
0x8e: {  	s30 =	sadd.s32 $0x1300, s25;
	[sflag:s16] =	ssyncadd.s32 $0xFFFFC000  }
0x8f: {  	[spmem:s3] =	stream.indirect.scatter.add.f32 [tilespmem:s14], [sflag:$0x3], $0x80, s30, s13, $0xb8;
	[tilespmem:$0x1E400] =	vst v63  }
0x90: {  	_ =	swait.ge [sflag:s11], $0x4000  }
0x91: {  	[sflag:s11] =	ssyncset.done $0x0  }
0x92: {  	[sflag:s11] =	ssyncadd.s32 $0xFFFFC000  }
0x93: {  	[tilespmem:s14], [sflag:$0x1] =	stream.indirect.gather [hbm4b:s1+s13], $0x80, s25, s13, $0xb8;
	[tilespmem:$0x1E400] =	vst v63  }
0x94: {  	_ =	swait.ge [sflag:s17], $0x4000  }
0x95: {  	[sflag:s17] =	ssyncset.done $0x0  }
0x96: {  	s31 =	sadd.s32 $0x1380, s25;
	[sflag:s17] =	ssyncadd.s32 $0xFFFFC000  }
0x97: {  	[spmem:s3] =	stream.indirect.scatter.add.f32 [tilespmem:s15], [sflag:$0x3], $0x80, s31, s13, $0xb8;
	[tilespmem:$0x1E400] =	vst v63  }
0x98: {  	_ =	swait.ge [sflag:s11], $0x4000  }
0x99: {  	[sflag:s11] =	ssyncset.done $0x0  }
0x9a: {  	[sflag:s11] =	ssyncadd.s32 $0xFFFFC000  }
0x9b: {  	[tilespmem:s15], [sflag:$0x2] =	stream.indirect.gather [hbm4b:s1+s13], $0x80, s18, s13, $0xb8;
	[tilespmem:$0x1E400] =	vst v63  }
0x9c: {  	_ =	swait.ge [sflag:s16], $0x4000  }
0x9d: {  	[sflag:s16] =	ssyncset.done $0x0  }
0x9e: {  	[sflag:s16] =	ssyncadd.s32 $0xFFFFC000  }
0x9f: {  	[spmem:s3] =	stream.indirect.scatter.add.f32 [tilespmem:s14], [sflag:$0x3], $0x80, s19, s13, $0xb8;
	[tilespmem:$0x1E400] =	vst v63  }
0xa0: {  	_ =	swait.ge [sflag:s11], $0x4000  }
0xa1: {  	[sflag:s11] =	ssyncset.done $0x0  }
0xa2: {  	[sflag:s11] =	ssyncadd.s32 $0xFFFFC000  }
0xa3: {  	_ =	swait.ge [sflag:s17], $0x4000  }
0xa4: {  	[sflag:s17] =	ssyncset.done $0x0  }
0xa5: {  	[sflag:s17] =	ssyncadd.s32 $0xFFFFC000  }
0xa6: {  	[spmem:s3] =	stream.indirect.scatter.add.f32 [tilespmem:s15], [sflag:$0x3], $0x80, s20, s13, $0xb8;
	[tilespmem:$0x1E400] =	vst v63  }
0xa7: {  	_ =	swait.ge [sflag:s11], $0x4000  }
0xa8: {  	s24 =	sadd.s32 $0x1, s24;
	[sflag:s11] =	ssyncset.done $0x0  }
0xa9: {  	p0 =	sne.s32 s24, s9;
	[sflag:s11] =	ssyncadd.s32 $0xFFFFC000  }
.Ltmp2:
0xaa: {  	[bflag:$0x0] =	sbarrier.arrive $0xFFFF;
	(pc) =	sbr.rel @p0 .LBB2_1-.Ltmp2, $4  }
0xab: {  	[hbm:s23], [sflag:s6] =	dma.local [spmem:s10], $0x2780  }
0xac: {  	_ =	swait.ge [sflag:s11], $0x2780  }
0xad: {  	[sflag:s11] =	ssyncset.done $0x0  }
0xae: {  	[sflag:s11] =	ssyncadd.s32 $0xFFFFD880  }
0xaf: {  	_ =	sfence.sel $0x180000  }
0xb0: {  	[bflag:$0x0] =	sbarrier.arrive $0xFFFF  }
0xb1: {  	p0 =	sne.s32 s0, $0x0;
	_ =	strace $0x90000047  }
0xb2: {  	s0 =	sadd.s32 @!p0 $0x100000, s2;
	[bflag:$0x2] =	sbarrier.arrive $0xFFFF  }
0xb3: {  	[sflag:s0] =	ssyncadd.tile.s32 @!p0 $0x1;
	_ =	shalt  }
.Lfunc_end2:
_tile_overlayer_lowered:
.L_overlay_start_2:
0xb4: {  	(tag) =	ssettag $0x2  }
0xb5: {  	s0 =	rddreg [dreg:$0x0];
	s2 =	stileid.u32  }
0xb6: {  	s1 =	rddreg [dreg:$0x1];
	p0 =	sne.s32 s2, $0x0  }
0xb7: {  	s3 =	rddreg [dreg:$0x2];
	[bflag:$0x3] =	sbarrier.arrive $0xFFFF;
	s2 =	simm.s32 @!p0 $0x1C03  }
0xb8: {  	[timem:s3], [sflag:s2] =	dma.local @!p0 [hbm:s0], s1  }
0xb9: {  	s0 =	simm.s32 @!p0 $0x3  }
0xba: {  	_ =	swait.ge @!p0 [sflag:s0], s1  }
0xbb: {  	s1 =	ssub.s32 @!p0 $0x0, s1;
	[sflag:s0] =	ssyncset.done @!p0 $0x0  }
0xbc: {  	[sflag:s0] =	ssyncadd.s32 @!p0 s1  }
0xbd: {  	[bflag:$0x3] =	sbarrier.arrive $0xFFFF  }
0xbe: {  	_ =	shalt  }

</sc_bundles>
